<compile_context>
chip_gen: v7x
topology: tpu7x:2x2x1
jax: 0.10.2.dev20260603
libtpu: 0.0.44.dev20260713+nightly
codegen_flags: <defaults>
</compile_context>

<pallas_src>
import functools

import jax
import jax.numpy as jnp
from jax import lax
from jax.experimental import pallas as pl
from jax.experimental.pallas import tpu as pltpu
from jax.experimental.pallas import tpu_sc as plsc

N = 10000
D_IN = 128
D_HID = 128
D_OUT = 40
NUM_TARGET = 1000

NC = 2
NS = 16
CHUNK = 128


def _ceil_div(a, b):
    return -(-a // b)



def _mm_body(x_ref, w_ref, o_ref):
    o_ref[...] = jnp.dot(x_ref[...], w_ref[...],
                         preferred_element_type=jnp.float32)


def _tc_matmul(x, w, bm):
    m, k = x.shape
    n = w.shape[1]
    grid = m // bm
    return pl.pallas_call(
        _mm_body,
        grid=(grid,),
        in_specs=[
            pl.BlockSpec((bm, k), lambda i: (i, 0)),
            pl.BlockSpec((k, n), lambda i: (0, 0)),
        ],
        out_specs=pl.BlockSpec((bm, n), lambda i: (i, 0)),
        out_shape=jax.ShapeDtypeStruct((m, n), jnp.float32),
    )(x, w)


def _relu_mm_body(p0_ref, p1_ref, c_ref, w_ref, o_ref):
    a = jnp.maximum(p0_ref[...] + p1_ref[...] + c_ref[...], 0.0)
    o_ref[...] = jnp.dot(a, w_ref[...], preferred_element_type=jnp.float32)


def _tc_relu_matmul(parts, cvec, w, bm):
    d = parts.shape[1]
    n = w.shape[1]
    grid = N // bm
    nb = N // bm
    return pl.pallas_call(
        _relu_mm_body,
        grid=(grid,),
        in_specs=[
            pl.BlockSpec((bm, d), lambda i: (i, 0)),
            pl.BlockSpec((bm, d), lambda i, nb=nb: (i + nb, 0)),
            pl.BlockSpec((1, d), lambda i: (0, 0)),
            pl.BlockSpec((d, n), lambda i: (0, 0)),
        ],
        out_specs=pl.BlockSpec((bm, n), lambda i: (i, 0)),
        out_shape=jax.ShapeDtypeStruct((N, n), jnp.float32),
    )(parts, parts, cvec, w)


def _lsm_body(q_ref, b_ref, o_ref, rows_a, rows_b):
    z = (q_ref[0:NUM_TARGET, 0:D_OUT] + q_ref[rows_a:rows_b, 0:D_OUT]
         + b_ref[...])
    m = jnp.max(z, axis=-1, keepdims=True)
    e = jnp.exp(z - m)
    lse = jnp.log(jnp.sum(e, axis=-1, keepdims=True))
    o_ref[...] = z - m - lse


def _tc_logsoftmax(q, b2, rows_per_core):
    body = functools.partial(_lsm_body, rows_a=rows_per_core,
                             rows_b=rows_per_core + NUM_TARGET)
    return pl.pallas_call(
        body,
        grid=(1,),
        in_specs=[
            pl.BlockSpec(q.shape, lambda i: (0, 0)),
            pl.BlockSpec((1, D_OUT), lambda i: (0, 0)),
        ],
        out_specs=pl.BlockSpec((NUM_TARGET, D_OUT), lambda i: (0, 0)),
        out_shape=jax.ShapeDtypeStruct((NUM_TARGET, D_OUT), jnp.float32),
    )(q, b2.reshape(1, D_OUT))



def _sc_agg_body(n_rows, acc_rows, d, ch_a, ch_b, out_tiles,
                 h_hbm, src_hbm, dst_hbm, zeros_hbm, out_hbm,
                 idx_s0, idx_s1, idx_s2, idx_s3,
                 idx_d0, idx_d1, idx_d2, idx_d3, rows0, rows1,
                 acc, isem0, isem1, isem2, isem3, gsem0, gsem1):
    c = lax.axis_index("c")
    s = lax.axis_index("s")
    ch = jnp.where(c == 0, ch_a, ch_b)
    zrows = acc_rows // NS
    orows = n_rows // out_tiles
    pltpu.sync_copy(zeros_hbm, acc.at[pl.ds(s * zrows, zrows)])
    plsc.subcore_barrier()

    base = jnp.where(c == 0, s * ch_a, NS * ch_a + s * ch_b) * CHUNK
    idx_s = (idx_s0, idx_s1, idx_s2, idx_s3)
    idx_d = (idx_d0, idx_d1, idx_d2, idx_d3)
    rows = (rows0, rows1)
    isems = (isem0, isem1, isem2, isem3)
    gsems = (gsem0, gsem1)

    def fire_idx(k, b):
        off = base + k * CHUNK
        pltpu.async_copy(src_hbm.at[pl.ds(off, CHUNK)], idx_s[b], isems[b])
        pltpu.async_copy(dst_hbm.at[pl.ds(off, CHUNK)], idx_d[b], isems[b])

    def wait_idx(k, b):
        off = base + k * CHUNK
        pltpu.make_async_copy(src_hbm.at[pl.ds(off, CHUNK)], idx_s[b],
                              isems[b]).wait()
        pltpu.make_async_copy(dst_hbm.at[pl.ds(off, CHUNK)], idx_d[b],
                              isems[b]).wait()

    fire_idx(0, 0)
    wait_idx(0, 0)
    pltpu.async_copy(h_hbm.at[idx_s[0]], rows[0], gsems[0])
    fire_idx(1, 1)

    @pl.loop(0, ch, step=4)
    def _(k):
        for b in range(4):
            kk = k + b
            rb = b % 2
            nrb = 1 - rb

            @pl.when(kk + 1 < ch)
            def _():
                wait_idx(kk + 1, (b + 1) % 4)
                pltpu.async_copy(h_hbm.at[idx_s[(b + 1) % 4]], rows[nrb],
                                 gsems[nrb])

            pltpu.make_async_copy(h_hbm.at[idx_s[b]], rows[rb],
                                  gsems[rb]).wait()
            pltpu.sync_copy(rows[rb], acc.at[idx_d[b]], add=True)

            @pl.when(kk + 2 < ch)
            def _():
                fire_idx(kk + 2, (b + 2) % 4)

    plsc.subcore_barrier()

    @pl.when(s < out_tiles)
    def _():
        pltpu.sync_copy(acc.at[pl.ds(s * orows, orows)],
                        out_hbm.at[pl.ds((c * n_rows) + s * orows, orows)])


def _sc_aggregate(h, src, dst, n_rows, acc_rows, ch_a, ch_b, out_tiles):
    d = h.shape[1]
    zrows = acc_rows // NS
    zeros = jnp.zeros((zrows, d), jnp.float32)
    mesh = plsc.VectorSubcoreMesh(core_axis_name="c", subcore_axis_name="s")
    body = functools.partial(_sc_agg_body, n_rows, acc_rows, d,
                             ch_a, ch_b, out_tiles)
    return pl.kernel(
        body,
        out_type=jax.ShapeDtypeStruct((NC * n_rows, d), jnp.float32),
        mesh=mesh,
        scratch_types=(
            [pltpu.VMEM((CHUNK,), jnp.int32)] * 8
            + [pltpu.VMEM((CHUNK, d), jnp.float32)] * 2
            + [pltpu.VMEM_SHARED((acc_rows, d), jnp.float32)]
            + [pltpu.SemaphoreType.DMA] * 6
        ),
    )(h, src, dst, zeros)


def _pad_edges(src, dst, e, e_pad, junk_lo, junk_n):
    pad = e_pad - e
    junk = junk_lo + (jnp.arange(pad, dtype=jnp.int32) % junk_n)
    srcp = jnp.concatenate([src, jnp.zeros((pad,), jnp.int32)])
    dstp = jnp.concatenate([dst, junk])
    return srcp, dstp



def kernel(x, edge_index_1, edge_index_2, num_target,
           W1, b1, gamma1, beta1, W2, b2):
    eps = 1e-5
    scale = gamma1 / jnp.sqrt(1.0 + eps)
    w1s = W1 * scale[None, :]
    cvec = (b1 * scale + beta1).reshape(1, D_HID)

    e1 = edge_index_1.shape[1]
    e2 = edge_index_2.shape[1]
    def _split(e, frac0):
        total = _ceil_div(e, NS * CHUNK)
        a = max(4, int(round(total * frac0 / 4)) * 4)
        b = max(4, _ceil_div(total - a, 4) * 4)
        return a, b

    ch1a, ch1b = _split(e1, 0.74)
    ch2a, ch2b = _split(e2, 0.82)
    e1p = NS * (ch1a + ch1b) * CHUNK
    e2p = NS * (ch2a + ch2b) * CHUNK

    acc1_rows = _ceil_div(N + 1, NS * 8) * NS * 8
    src1, dst1 = _pad_edges(edge_index_1[0], edge_index_1[1], e1, e1p,
                            N, acc1_rows - N)

    acc2_rows = 2048
    d2 = edge_index_2[1]
    dst2 = jnp.where(d2 < NUM_TARGET, d2,
                     NUM_TARGET + lax.rem(d2, acc2_rows - NUM_TARGET))
    src2, dst2 = _pad_edges(edge_index_2[0], dst2, e2, e2p,
                            NUM_TARGET, acc2_rows - NUM_TARGET)

    w2p = jnp.pad(W2, ((0, 0), (0, 128 - D_OUT)))

    h = _tc_matmul(x, w1s, bm=1000)
    parts1 = _sc_aggregate(h, src1, dst1, N, acc1_rows, ch1a, ch1b,
                           10)
    h2 = _tc_relu_matmul(parts1, cvec, w2p, bm=1000)
    parts2 = _sc_aggregate(h2, src2, dst2, acc2_rows, acc2_rows,
                           ch2a, ch2b, NS)
    return _tc_logsoftmax(parts2, b2, acc2_rows)

# --- scband reference (transcript-rebuilt; emitter-appended) ---
"""Pipeline reference for scband-gcn-neigh-sampler-81200651698180 (READ-ONLY COPY).

The authoritative reference and input builder live on the scoring server;
editing this copy changes nothing except your own understanding.
"""

import jax, jax.numpy as jnp
import numpy as np

N, D_IN, D_HID, D_OUT = 10000, 128, 128, 40
E1, E2 = 320000, 160000
NUM_TARGET = 1000


def setup_inputs(seed: int = 0) -> dict:
    key = jax.random.key(seed)
    ks = jax.random.split(key, 8)
    x = jax.random.normal(ks[0], (N, D_IN), dtype=jnp.float32)
    edge_index_1 = jax.random.randint(ks[1], (2, E1), 0, N)
    edge_index_2 = jax.random.randint(ks[2], (2, E2), 0, N)
    W1 = jax.random.normal(ks[3], (D_IN, D_HID), dtype=jnp.float32) * (1.0 / np.sqrt(D_IN))
    b1 = jnp.zeros((D_HID,), dtype=jnp.float32)
    gamma1 = jnp.ones((D_HID,), dtype=jnp.float32)
    beta1 = jnp.zeros((D_HID,), dtype=jnp.float32)
    W2 = jax.random.normal(ks[4], (D_HID, D_OUT), dtype=jnp.float32) * (1.0 / np.sqrt(D_HID))
    b2 = jnp.zeros((D_OUT,), dtype=jnp.float32)
    return {
        "x": x,
        "edge_index_1": edge_index_1,
        "edge_index_2": edge_index_2,
        "num_target": NUM_TARGET,
        "W1": W1, "b1": b1, "gamma1": gamma1, "beta1": beta1,
        "W2": W2, "b2": b2,
    }


def reference(x, edge_index_1, edge_index_2, num_target, W1, b1, gamma1, beta1, W2, b2):
    # GCNConv(cached=False, normalize=False): h = x @ W; out[dst] += h[src]; out += bias
    eps = 1e-5
    n = x.shape[0]
    # layer 1
    h = x @ W1
    agg = jnp.zeros((n, W1.shape[1]), dtype=x.dtype).at[edge_index_1[1]].add(h[edge_index_1[0]])
    h = agg + b1
    # BatchNorm1d eval mode (running_mean=0, running_var=1)
    h = h * (gamma1 / jnp.sqrt(1.0 + eps)) + beta1
    h = jax.nn.relu(h)
    # dropout: identity in eval mode
    # layer 2 (final)
    h2 = h @ W2
    agg2 = jnp.zeros((n, W2.shape[1]), dtype=x.dtype).at[edge_index_2[1]].add(h2[edge_index_2[0]])
    h2 = agg2 + b2
    out = jax.lax.dynamic_slice_in_dim(h2, num_target - num_target, NUM_TARGET, 0)
    return jax.nn.log_softmax(out, axis=-1)

if __name__ == "__main__":
    import jax
    _d = setup_inputs()
    print(jax.jit(kernel)(*tuple(_d.values())))

</pallas_src>

<mosaic_0001>
#map = affine_map<(d0, d1) -> (0, 0)>
#map1 = affine_map<(d0, d1) -> (0)>
module attributes {stable_mosaic.version = 14 : i64} {
  func.func @_sc_agg_body(%arg0: i32, %arg1: i32, %arg2: memref<10000x128xf32, #tpu.memory_space<hbm>>, %arg3: memref<327680xi32, #tpu.memory_space<hbm>>, %arg4: memref<327680xi32, #tpu.memory_space<hbm>>, %arg5: memref<632x128xf32, #tpu.memory_space<hbm>>, %arg6: memref<20000x128xf32, #tpu.memory_space<hbm>>, %arg7: memref<128xi32, #tpu.memory_space<vmem>>, %arg8: memref<128xi32, #tpu.memory_space<vmem>>, %arg9: memref<128xi32, #tpu.memory_space<vmem>>, %arg10: memref<128xi32, #tpu.memory_space<vmem>>, %arg11: memref<128xi32, #tpu.memory_space<vmem>>, %arg12: memref<128xi32, #tpu.memory_space<vmem>>, %arg13: memref<128xi32, #tpu.memory_space<vmem>>, %arg14: memref<128xi32, #tpu.memory_space<vmem>>, %arg15: memref<128x128xf32, #tpu.memory_space<vmem>>, %arg16: memref<128x128xf32, #tpu.memory_space<vmem>>, %arg17: memref<10112x128xf32, #tpu.memory_space<vmem_shared>>, %arg18: memref<!tpu.dma_semaphore, #tpu.memory_space<semaphore_mem>>, %arg19: memref<!tpu.dma_semaphore, #tpu.memory_space<semaphore_mem>>, %arg20: memref<!tpu.dma_semaphore, #tpu.memory_space<semaphore_mem>>, %arg21: memref<!tpu.dma_semaphore, #tpu.memory_space<semaphore_mem>>, %arg22: memref<!tpu.dma_semaphore, #tpu.memory_space<semaphore_mem>>, %arg23: memref<!tpu.dma_semaphore, #tpu.memory_space<semaphore_mem>>) attributes {dimension_semantics = [#tpu.dimension_semantics<core_parallel>, #tpu.dimension_semantics<subcore_parallel>], iteration_bounds = array<i64: 2, 16>, scalar_prefetch = 0 : i64, scratch_operands = 17 : i64, tpu.core_type = #tpu.core_type<sc_vector_subcore>, window_params = [{transform_indices = #map}, {transform_indices = #map1}, {transform_indices = #map1}, {transform_indices = #map}, {transform_indices = #map}]} {
    %eq3A = arith.constant 0 : i32
    %eq3A_0 = arith.cmpi eq, %arg0, %eq3A : i32
    %jit3A = arith.constant 116 : i32
    %jit3A_1 = arith.constant 44 : i32
    %select_n3A = arith.select %eq3A_0, %jit3A, %jit3A_1 : i32
    %mul3A = arith.constant 632 : i32
    %mul3A_2 = arith.muli %arg1, %mul3A : i32
    "tpu.region"() ({
      %run_scoped3A = tpu.sem_alloc : memref<!tpu.dma_semaphore, #tpu.memory_space<semaphore_mem>>
      %dma_start3A_51 = arith.constant 0 : i32
      %dma_start3A_52 = tpu.memref_slice %arg17[%mul3A_2, %dma_start3A_51] : memref<10112x128xf32, #tpu.memory_space<vmem_shared>> -> memref<632x128xf32, #tpu.memory_space<vmem_shared>>
      tpu.enqueue_dma source(%arg5 : memref<632x128xf32, #tpu.memory_space<hbm>>) target(%dma_start3A_52 : memref<632x128xf32, #tpu.memory_space<vmem_shared>>) target_semaphore(%run_scoped3A : memref<!tpu.dma_semaphore, #tpu.memory_space<semaphore_mem>>)
      %dma_wait3A_53 = arith.constant 0 : i32
      %dma_wait3A_54 = tpu.memref_slice %arg17[%mul3A_2, %dma_wait3A_53] : memref<10112x128xf32, #tpu.memory_space<vmem_shared>> -> memref<632x128xf32, #tpu.memory_space<vmem_shared>>
      tpu.wait_dma2 semaphore(%run_scoped3A : memref<!tpu.dma_semaphore, #tpu.memory_space<semaphore_mem>>) src(%arg5 : memref<632x128xf32, #tpu.memory_space<hbm>>) dst(%dma_wait3A_54 : memref<632x128xf32, #tpu.memory_space<vmem_shared>>)
      tpu.yield
    }) : () -> ()
    %barrier3A = arith.constant 0 : index
    tpu.barrier barrier_id(%barrier3A)
    %eq3A_3 = arith.constant 0 : i32
    %eq3A_4 = arith.cmpi eq, %arg0, %eq3A_3 : i32
    %mul3A_5 = arith.constant 116 : i32
    %mul3A_6 = arith.muli %arg1, %mul3A_5 : i32
    %mul3A_7 = arith.constant 44 : i32
    %mul3A_8 = arith.muli %arg1, %mul3A_7 : i32
    %add3A = arith.constant 1856 : i32
    %add3A_9 = arith.addi %add3A, %mul3A_8 : i32
    %select_n3A_10 = arith.select %eq3A_4, %mul3A_6, %add3A_9 : i32
    %mul3A_11 = arith.constant 128 : i32
    %mul3A_12 = arith.muli %select_n3A_10, %mul3A_11 : i32
    %add3A_13 = arith.constant 0 : i32
    %add3A_14 = arith.addi %mul3A_12, %add3A_13 : i32
    %dma_start3A = tpu.memref_slice %arg3[%add3A_14] : memref<327680xi32, #tpu.memory_space<hbm>> -> memref<128xi32, #tpu.memory_space<hbm>>
    %dma_start3A_15 = tpu.memref_slice %arg3[%add3A_14] : memref<327680xi32, #tpu.memory_space<hbm>> -> memref<128xi32, #tpu.memory_space<hbm>>
    tpu.enqueue_dma source(%dma_start3A_15 : memref<128xi32, #tpu.memory_space<hbm>>) target(%arg7 : memref<128xi32, #tpu.memory_space<vmem>>) target_semaphore(%arg18 : memref<!tpu.dma_semaphore, #tpu.memory_space<semaphore_mem>>)
    %dma_start3A_16 = tpu.memref_slice %arg4[%add3A_14] : memref<327680xi32, #tpu.memory_space<hbm>> -> memref<128xi32, #tpu.memory_space<hbm>>
    %dma_start3A_17 = tpu.memref_slice %arg4[%add3A_14] : memref<327680xi32, #tpu.memory_space<hbm>> -> memref<128xi32, #tpu.memory_space<hbm>>
    tpu.enqueue_dma source(%dma_start3A_17 : memref<128xi32, #tpu.memory_space<hbm>>) target(%arg11 : memref<128xi32, #tpu.memory_space<vmem>>) target_semaphore(%arg18 : memref<!tpu.dma_semaphore, #tpu.memory_space<semaphore_mem>>)
    %add3A_18 = arith.constant 0 : i32
    %add3A_19 = arith.addi %mul3A_12, %add3A_18 : i32
    %dma_wait3A = tpu.memref_slice %arg3[%add3A_19] : memref<327680xi32, #tpu.memory_space<hbm>> -> memref<128xi32, #tpu.memory_space<hbm>>
    %dma_wait3A_20 = tpu.memref_slice %arg3[%add3A_19] : memref<327680xi32, #tpu.memory_space<hbm>> -> memref<128xi32, #tpu.memory_space<hbm>>
    tpu.wait_dma2 semaphore(%arg18 : memref<!tpu.dma_semaphore, #tpu.memory_space<semaphore_mem>>) src(%dma_wait3A_20 : memref<128xi32, #tpu.memory_space<hbm>>) dst(%arg7 : memref<128xi32, #tpu.memory_space<vmem>>)
    %dma_wait3A_21 = tpu.memref_slice %arg4[%add3A_19] : memref<327680xi32, #tpu.memory_space<hbm>> -> memref<128xi32, #tpu.memory_space<hbm>>
    %dma_wait3A_22 = tpu.memref_slice %arg4[%add3A_19] : memref<327680xi32, #tpu.memory_space<hbm>> -> memref<128xi32, #tpu.memory_space<hbm>>
    tpu.wait_dma2 semaphore(%arg18 : memref<!tpu.dma_semaphore, #tpu.memory_space<semaphore_mem>>) src(%dma_wait3A_22 : memref<128xi32, #tpu.memory_space<hbm>>) dst(%arg11 : memref<128xi32, #tpu.memory_space<vmem>>)
    %dma_start3A_23 = arith.constant 0 : i32
    %dma_start3A_24 = arith.constant 0 : i32
    %dma_start3A_25 = tpu.memref_slice %arg2[%dma_start3A_23, %dma_start3A_24] : memref<10000x128xf32, #tpu.memory_space<hbm>> -> memref<10000x128xf32, #tpu.memory_space<hbm>>
    tpu.enqueue_indirect_dma source(%dma_start3A_25 : memref<10000x128xf32, #tpu.memory_space<hbm>>) target(%arg15 : memref<128x128xf32, #tpu.memory_space<vmem>>) offsets(%arg7 : memref<128xi32, #tpu.memory_space<vmem>>) semaphore(%arg22 : memref<!tpu.dma_semaphore, #tpu.memory_space<semaphore_mem>>)
    %add3A_26 = arith.constant 128 : i32
    %add3A_27 = arith.addi %mul3A_12, %add3A_26 : i32
    %dma_start3A_28 = tpu.memref_slice %arg3[%add3A_27] : memref<327680xi32, #tpu.memory_space<hbm>> -> memref<128xi32, #tpu.memory_space<hbm>>
    %dma_start3A_29 = tpu.memref_slice %arg3[%add3A_27] : memref<327680xi32, #tpu.memory_space<hbm>> -> memref<128xi32, #tpu.memory_space<hbm>>
    tpu.enqueue_dma source(%dma_start3A_29 : memref<128xi32, #tpu.memory_space<hbm>>) target(%arg8 : memref<128xi32, #tpu.memory_space<vmem>>) target_semaphore(%arg19 : memref<!tpu.dma_semaphore, #tpu.memory_space<semaphore_mem>>)
    %dma_start3A_30 = tpu.memref_slice %arg4[%add3A_27] : memref<327680xi32, #tpu.memory_space<hbm>> -> memref<128xi32, #tpu.memory_space<hbm>>
    %dma_start3A_31 = tpu.memref_slice %arg4[%add3A_27] : memref<327680xi32, #tpu.memory_space<hbm>> -> memref<128xi32, #tpu.memory_space<hbm>>
    tpu.enqueue_dma source(%dma_start3A_31 : memref<128xi32, #tpu.memory_space<hbm>>) target(%arg12 : memref<128xi32, #tpu.memory_space<vmem>>) target_semaphore(%arg19 : memref<!tpu.dma_semaphore, #tpu.memory_space<semaphore_mem>>)
    %sub3A = arith.constant 0 : i32
    %sub3A_32 = arith.subi %select_n3A, %sub3A : i32
    %sub3A_33 = arith.constant 4 : i32
    %sub3A_34 = arith.constant 1 : i32
    %sub3A_35 = arith.subi %sub3A_33, %sub3A_34 : i32
    %add3A_36 = arith.addi %sub3A_32, %sub3A_35 : i32
    %div3A = arith.constant 4 : i32
    %div3A_37 = arith.divsi %add3A_36, %div3A : i32
    %while3A = arith.constant 4 : i32
    %while3A_38 = arith.constant 0 : i32
    %while3A_39 = arith.constant 0 : i32
    %while3A_40 = arith.subi %div3A_37, %while3A_39 : i32
    %while3A_41 = arith.addi %while3A_39, %while3A_40 : i32
    %while3A_42 = arith.constant 1 : i32
    %while3A_43 = arith.divsi %while3A_40, %while3A_42 : i32
    %while3A_44 = arith.muli %while3A_43, %while3A_42 : i32
    %while3A_45 = arith.addi %while3A_39, %while3A_44 : i32
    %while3A_46 = arith.constant 1 : i32
    scf.for %while3A_51 = %while3A_39 to %while3A_45 step %while3A_46  : i32 {
      %mul3A_52 = arith.muli %while3A_51, %while3A : i32
      %add3A_53 = arith.addi %while3A_38, %mul3A_52 : i32
      %add3A_54 = arith.constant 0 : i32
      %add3A_55 = arith.addi %add3A_53, %add3A_54 : i32
      %add3A_56 = arith.constant 1 : i32
      %add3A_57 = arith.addi %add3A_55, %add3A_56 : i32
      %lt3A_58 = arith.cmpi slt, %add3A_57, %select_n3A : i32
      %convert_element_type3A_59 = arith.extui %lt3A_58 : i1 to i32
      %cond3A_60 = arith.constant 0 : i32
      %cond3A_61 = arith.cmpi ne, %convert_element_type3A_59, %cond3A_60 : i32
      scf.if %cond3A_61 {
        %add3A_122 = arith.constant 1 : i32
        %add3A_123 = arith.addi %add3A_55, %add3A_122 : i32
        %mul3A_124 = arith.constant 128 : i32
        %mul3A_125 = arith.muli %add3A_123, %mul3A_124 : i32
        %add3A_126 = arith.addi %mul3A_12, %mul3A_125 : i32
        %dma_wait3A_127 = tpu.memref_slice %arg3[%add3A_126] : memref<327680xi32, #tpu.memory_space<hbm>> -> memref<128xi32, #tpu.memory_space<hbm>>
        %dma_wait3A_128 = tpu.memref_slice %arg3[%add3A_126] : memref<327680xi32, #tpu.memory_space<hbm>> -> memref<128xi32, #tpu.memory_space<hbm>>
        tpu.wait_dma2 semaphore(%arg19 : memref<!tpu.dma_semaphore, #tpu.memory_space<semaphore_mem>>) src(%dma_wait3A_128 : memref<128xi32, #tpu.memory_space<hbm>>) dst(%arg8 : memref<128xi32, #tpu.memory_space<vmem>>)
        %dma_wait3A_129 = tpu.memref_slice %arg4[%add3A_126] : memref<327680xi32, #tpu.memory_space<hbm>> -> memref<128xi32, #tpu.memory_space<hbm>>
        %dma_wait3A_130 = tpu.memref_slice %arg4[%add3A_126] : memref<327680xi32, #tpu.memory_space<hbm>> -> memref<128xi32, #tpu.memory_space<hbm>>
        tpu.wait_dma2 semaphore(%arg19 : memref<!tpu.dma_semaphore, #tpu.memory_space<semaphore_mem>>) src(%dma_wait3A_130 : memref<128xi32, #tpu.memory_space<hbm>>) dst(%arg12 : memref<128xi32, #tpu.memory_space<vmem>>)
        %dma_start3A_131 = arith.constant 0 : i32
        %dma_start3A_132 = arith.constant 0 : i32
        %dma_start3A_133 = tpu.memref_slice %arg2[%dma_start3A_131, %dma_start3A_132] : memref<10000x128xf32, #tpu.memory_space<hbm>> -> memref<10000x128xf32, #tpu.memory_space<hbm>>
        tpu.enqueue_indirect_dma source(%dma_start3A_133 : memref<10000x128xf32, #tpu.memory_space<hbm>>) target(%arg16 : memref<128x128xf32, #tpu.memory_space<vmem>>) offsets(%arg8 : memref<128xi32, #tpu.memory_space<vmem>>) semaphore(%arg23 : memref<!tpu.dma_semaphore, #tpu.memory_space<semaphore_mem>>)
      } else {
      }
      %dma_wait3A_62 = arith.constant 0 : i32
      %dma_wait3A_63 = arith.constant 0 : i32
      %dma_wait3A_64 = tpu.memref_slice %arg2[%dma_wait3A_62, %dma_wait3A_63] : memref<10000x128xf32, #tpu.memory_space<hbm>> -> memref<10000x128xf32, #tpu.memory_space<hbm>>
      tpu.wait_indirect_dma semaphore(%arg22 : memref<!tpu.dma_semaphore, #tpu.memory_space<semaphore_mem>>) src(%dma_wait3A_64 : memref<10000x128xf32, #tpu.memory_space<hbm>>) dst(%arg15 : memref<128x128xf32, #tpu.memory_space<vmem>>)
      "tpu.region"() ({
        %run_scoped3A = tpu.sem_alloc : memref<!tpu.dma_semaphore, #tpu.memory_space<semaphore_mem>>
        %dma_start3A_122 = arith.constant 0 : i32
        %dma_start3A_123 = arith.constant 0 : i32
        %dma_start3A_124 = tpu.memref_slice %arg17[%dma_start3A_122, %dma_start3A_123] : memref<10112x128xf32, #tpu.memory_space<vmem_shared>> -> memref<10112x128xf32, #tpu.memory_space<vmem_shared>>
        tpu.enqueue_indirect_dma source(%arg15 : memref<128x128xf32, #tpu.memory_space<vmem>>) target(%dma_start3A_124 : memref<10112x128xf32, #tpu.memory_space<vmem_shared>>) offsets(%arg11 : memref<128xi32, #tpu.memory_space<vmem>>) semaphore(%run_scoped3A : memref<!tpu.dma_semaphore, #tpu.memory_space<semaphore_mem>>) {add = true}
        %dma_wait3A_125 = arith.constant 0 : i32
        %dma_wait3A_126 = arith.constant 0 : i32
        %dma_wait3A_127 = tpu.memref_slice %arg17[%dma_wait3A_125, %dma_wait3A_126] : memref<10112x128xf32, #tpu.memory_space<vmem_shared>> -> memref<10112x128xf32, #tpu.memory_space<vmem_shared>>
        tpu.wait_indirect_dma semaphore(%run_scoped3A : memref<!tpu.dma_semaphore, #tpu.memory_space<semaphore_mem>>) src(%arg15 : memref<128x128xf32, #tpu.memory_space<vmem>>) dst(%dma_wait3A_127 : memref<10112x128xf32, #tpu.memory_space<vmem_shared>>)
        tpu.yield
      }) : () -> ()
      %add3A_65 = arith.constant 2 : i32
      %add3A_66 = arith.addi %add3A_55, %add3A_65 : i32
      %lt3A_67 = arith.cmpi slt, %add3A_66, %select_n3A : i32
      %convert_element_type3A_68 = arith.extui %lt3A_67 : i1 to i32
      %cond3A_69 = arith.constant 0 : i32
      %cond3A_70 = arith.cmpi ne, %convert_element_type3A_68, %cond3A_69 : i32
      scf.if %cond3A_70 {
        %add3A_122 = arith.constant 2 : i32
        %add3A_123 = arith.addi %add3A_55, %add3A_122 : i32
        %mul3A_124 = arith.constant 128 : i32
        %mul3A_125 = arith.muli %add3A_123, %mul3A_124 : i32
        %add3A_126 = arith.addi %mul3A_12, %mul3A_125 : i32
        %dma_start3A_127 = tpu.memref_slice %arg3[%add3A_126] : memref<327680xi32, #tpu.memory_space<hbm>> -> memref<128xi32, #tpu.memory_space<hbm>>
        %dma_start3A_128 = tpu.memref_slice %arg3[%add3A_126] : memref<327680xi32, #tpu.memory_space<hbm>> -> memref<128xi32, #tpu.memory_space<hbm>>
        tpu.enqueue_dma source(%dma_start3A_128 : memref<128xi32, #tpu.memory_space<hbm>>) target(%arg9 : memref<128xi32, #tpu.memory_space<vmem>>) target_semaphore(%arg20 : memref<!tpu.dma_semaphore, #tpu.memory_space<semaphore_mem>>)
        %dma_start3A_129 = tpu.memref_slice %arg4[%add3A_126] : memref<327680xi32, #tpu.memory_space<hbm>> -> memref<128xi32, #tpu.memory_space<hbm>>
        %dma_start3A_130 = tpu.memref_slice %arg4[%add3A_126] : memref<327680xi32, #tpu.memory_space<hbm>> -> memref<128xi32, #tpu.memory_space<hbm>>
        tpu.enqueue_dma source(%dma_start3A_130 : memref<128xi32, #tpu.memory_space<hbm>>) target(%arg13 : memref<128xi32, #tpu.memory_space<vmem>>) target_semaphore(%arg20 : memref<!tpu.dma_semaphore, #tpu.memory_space<semaphore_mem>>)
      } else {
      }
      %add3A_71 = arith.constant 1 : i32
      %add3A_72 = arith.addi %add3A_53, %add3A_71 : i32
      %add3A_73 = arith.constant 1 : i32
      %add3A_74 = arith.addi %add3A_72, %add3A_73 : i32
      %lt3A_75 = arith.cmpi slt, %add3A_74, %select_n3A : i32
      %convert_element_type3A_76 = arith.extui %lt3A_75 : i1 to i32
      %cond3A_77 = arith.constant 0 : i32
      %cond3A_78 = arith.cmpi ne, %convert_element_type3A_76, %cond3A_77 : i32
      scf.if %cond3A_78 {
        %add3A_122 = arith.constant 1 : i32
        %add3A_123 = arith.addi %add3A_72, %add3A_122 : i32
        %mul3A_124 = arith.constant 128 : i32
        %mul3A_125 = arith.muli %add3A_123, %mul3A_124 : i32
        %add3A_126 = arith.addi %mul3A_12, %mul3A_125 : i32
        %dma_wait3A_127 = tpu.memref_slice %arg3[%add3A_126] : memref<327680xi32, #tpu.memory_space<hbm>> -> memref<128xi32, #tpu.memory_space<hbm>>
        %dma_wait3A_128 = tpu.memref_slice %arg3[%add3A_126] : memref<327680xi32, #tpu.memory_space<hbm>> -> memref<128xi32, #tpu.memory_space<hbm>>
        tpu.wait_dma2 semaphore(%arg20 : memref<!tpu.dma_semaphore, #tpu.memory_space<semaphore_mem>>) src(%dma_wait3A_128 : memref<128xi32, #tpu.memory_space<hbm>>) dst(%arg9 : memref<128xi32, #tpu.memory_space<vmem>>)
        %dma_wait3A_129 = tpu.memref_slice %arg4[%add3A_126] : memref<327680xi32, #tpu.memory_space<hbm>> -> memref<128xi32, #tpu.memory_space<hbm>>
        %dma_wait3A_130 = tpu.memref_slice %arg4[%add3A_126] : memref<327680xi32, #tpu.memory_space<hbm>> -> memref<128xi32, #tpu.memory_space<hbm>>
        tpu.wait_dma2 semaphore(%arg20 : memref<!tpu.dma_semaphore, #tpu.memory_space<semaphore_mem>>) src(%dma_wait3A_130 : memref<128xi32, #tpu.memory_space<hbm>>) dst(%arg13 : memref<128xi32, #tpu.memory_space<vmem>>)
        %dma_start3A_131 = arith.constant 0 : i32
        %dma_start3A_132 = arith.constant 0 : i32
        %dma_start3A_133 = tpu.memref_slice %arg2[%dma_start3A_131, %dma_start3A_132] : memref<10000x128xf32, #tpu.memory_space<hbm>> -> memref<10000x128xf32, #tpu.memory_space<hbm>>
        tpu.enqueue_indirect_dma source(%dma_start3A_133 : memref<10000x128xf32, #tpu.memory_space<hbm>>) target(%arg15 : memref<128x128xf32, #tpu.memory_space<vmem>>) offsets(%arg9 : memref<128xi32, #tpu.memory_space<vmem>>) semaphore(%arg22 : memref<!tpu.dma_semaphore, #tpu.memory_space<semaphore_mem>>)
      } else {
      }
      %dma_wait3A_79 = arith.constant 0 : i32
      %dma_wait3A_80 = arith.constant 0 : i32
      %dma_wait3A_81 = tpu.memref_slice %arg2[%dma_wait3A_79, %dma_wait3A_80] : memref<10000x128xf32, #tpu.memory_space<hbm>> -> memref<10000x128xf32, #tpu.memory_space<hbm>>
      tpu.wait_indirect_dma semaphore(%arg23 : memref<!tpu.dma_semaphore, #tpu.memory_space<semaphore_mem>>) src(%dma_wait3A_81 : memref<10000x128xf32, #tpu.memory_space<hbm>>) dst(%arg16 : memref<128x128xf32, #tpu.memory_space<vmem>>)
      "tpu.region"() ({
        %run_scoped3A = tpu.sem_alloc : memref<!tpu.dma_semaphore, #tpu.memory_space<semaphore_mem>>
        %dma_start3A_122 = arith.constant 0 : i32
        %dma_start3A_123 = arith.constant 0 : i32
        %dma_start3A_124 = tpu.memref_slice %arg17[%dma_start3A_122, %dma_start3A_123] : memref<10112x128xf32, #tpu.memory_space<vmem_shared>> -> memref<10112x128xf32, #tpu.memory_space<vmem_shared>>
        tpu.enqueue_indirect_dma source(%arg16 : memref<128x128xf32, #tpu.memory_space<vmem>>) target(%dma_start3A_124 : memref<10112x128xf32, #tpu.memory_space<vmem_shared>>) offsets(%arg12 : memref<128xi32, #tpu.memory_space<vmem>>) semaphore(%run_scoped3A : memref<!tpu.dma_semaphore, #tpu.memory_space<semaphore_mem>>) {add = true}
        %dma_wait3A_125 = arith.constant 0 : i32
        %dma_wait3A_126 = arith.constant 0 : i32
        %dma_wait3A_127 = tpu.memref_slice %arg17[%dma_wait3A_125, %dma_wait3A_126] : memref<10112x128xf32, #tpu.memory_space<vmem_shared>> -> memref<10112x128xf32, #tpu.memory_space<vmem_shared>>
        tpu.wait_indirect_dma semaphore(%run_scoped3A : memref<!tpu.dma_semaphore, #tpu.memory_space<semaphore_mem>>) src(%arg16 : memref<128x128xf32, #tpu.memory_space<vmem>>) dst(%dma_wait3A_127 : memref<10112x128xf32, #tpu.memory_space<vmem_shared>>)
        tpu.yield
      }) : () -> ()
      %add3A_82 = arith.constant 2 : i32
      %add3A_83 = arith.addi %add3A_72, %add3A_82 : i32
      %lt3A_84 = arith.cmpi slt, %add3A_83, %select_n3A : i32
      %convert_element_type3A_85 = arith.extui %lt3A_84 : i1 to i32
      %cond3A_86 = arith.constant 0 : i32
      %cond3A_87 = arith.cmpi ne, %convert_element_type3A_85, %cond3A_86 : i32
      scf.if %cond3A_87 {
        %add3A_122 = arith.constant 2 : i32
        %add3A_123 = arith.addi %add3A_72, %add3A_122 : i32
        %mul3A_124 = arith.constant 128 : i32
        %mul3A_125 = arith.muli %add3A_123, %mul3A_124 : i32
        %add3A_126 = arith.addi %mul3A_12, %mul3A_125 : i32
        %dma_start3A_127 = tpu.memref_slice %arg3[%add3A_126] : memref<327680xi32, #tpu.memory_space<hbm>> -> memref<128xi32, #tpu.memory_space<hbm>>
        %dma_start3A_128 = tpu.memref_slice %arg3[%add3A_126] : memref<327680xi32, #tpu.memory_space<hbm>> -> memref<128xi32, #tpu.memory_space<hbm>>
        tpu.enqueue_dma source(%dma_start3A_128 : memref<128xi32, #tpu.memory_space<hbm>>) target(%arg10 : memref<128xi32, #tpu.memory_space<vmem>>) target_semaphore(%arg21 : memref<!tpu.dma_semaphore, #tpu.memory_space<semaphore_mem>>)
        %dma_start3A_129 = tpu.memref_slice %arg4[%add3A_126] : memref<327680xi32, #tpu.memory_space<hbm>> -> memref<128xi32, #tpu.memory_space<hbm>>
        %dma_start3A_130 = tpu.memref_slice %arg4[%add3A_126] : memref<327680xi32, #tpu.memory_space<hbm>> -> memref<128xi32, #tpu.memory_space<hbm>>
        tpu.enqueue_dma source(%dma_start3A_130 : memref<128xi32, #tpu.memory_space<hbm>>) target(%arg14 : memref<128xi32, #tpu.memory_space<vmem>>) target_semaphore(%arg21 : memref<!tpu.dma_semaphore, #tpu.memory_space<semaphore_mem>>)
      } else {
      }
      %add3A_88 = arith.constant 2 : i32
      %add3A_89 = arith.addi %add3A_53, %add3A_88 : i32
      %add3A_90 = arith.constant 1 : i32
      %add3A_91 = arith.addi %add3A_89, %add3A_90 : i32
      %lt3A_92 = arith.cmpi slt, %add3A_91, %select_n3A : i32
      %convert_element_type3A_93 = arith.extui %lt3A_92 : i1 to i32
      %cond3A_94 = arith.constant 0 : i32
      %cond3A_95 = arith.cmpi ne, %convert_element_type3A_93, %cond3A_94 : i32
      scf.if %cond3A_95 {
        %add3A_122 = arith.constant 1 : i32
        %add3A_123 = arith.addi %add3A_89, %add3A_122 : i32
        %mul3A_124 = arith.constant 128 : i32
        %mul3A_125 = arith.muli %add3A_123, %mul3A_124 : i32
        %add3A_126 = arith.addi %mul3A_12, %mul3A_125 : i32
        %dma_wait3A_127 = tpu.memref_slice %arg3[%add3A_126] : memref<327680xi32, #tpu.memory_space<hbm>> -> memref<128xi32, #tpu.memory_space<hbm>>
        %dma_wait3A_128 = tpu.memref_slice %arg3[%add3A_126] : memref<327680xi32, #tpu.memory_space<hbm>> -> memref<128xi32, #tpu.memory_space<hbm>>
        tpu.wait_dma2 semaphore(%arg21 : memref<!tpu.dma_semaphore, #tpu.memory_space<semaphore_mem>>) src(%dma_wait3A_128 : memref<128xi32, #tpu.memory_space<hbm>>) dst(%arg10 : memref<128xi32, #tpu.memory_space<vmem>>)
        %dma_wait3A_129 = tpu.memref_slice %arg4[%add3A_126] : memref<327680xi32, #tpu.memory_space<hbm>> -> memref<128xi32, #tpu.memory_space<hbm>>
        %dma_wait3A_130 = tpu.memref_slice %arg4[%add3A_126] : memref<327680xi32, #tpu.memory_space<hbm>> -> memref<128xi32, #tpu.memory_space<hbm>>
        tpu.wait_dma2 semaphore(%arg21 : memref<!tpu.dma_semaphore, #tpu.memory_space<semaphore_mem>>) src(%dma_wait3A_130 : memref<128xi32, #tpu.memory_space<hbm>>) dst(%arg14 : memref<128xi32, #tpu.memory_space<vmem>>)
        %dma_start3A_131 = arith.constant 0 : i32
        %dma_start3A_132 = arith.constant 0 : i32
        %dma_start3A_133 = tpu.memref_slice %arg2[%dma_start3A_131, %dma_start3A_132] : memref<10000x128xf32, #tpu.memory_space<hbm>> -> memref<10000x128xf32, #tpu.memory_space<hbm>>
        tpu.enqueue_indirect_dma source(%dma_start3A_133 : memref<10000x128xf32, #tpu.memory_space<hbm>>) target(%arg16 : memref<128x128xf32, #tpu.memory_space<vmem>>) offsets(%arg10 : memref<128xi32, #tpu.memory_space<vmem>>) semaphore(%arg23 : memref<!tpu.dma_semaphore, #tpu.memory_space<semaphore_mem>>)
      } else {
      }
      %dma_wait3A_96 = arith.constant 0 : i32
      %dma_wait3A_97 = arith.constant 0 : i32
      %dma_wait3A_98 = tpu.memref_slice %arg2[%dma_wait3A_96, %dma_wait3A_97] : memref<10000x128xf32, #tpu.memory_space<hbm>> -> memref<10000x128xf32, #tpu.memory_space<hbm>>
      tpu.wait_indirect_dma semaphore(%arg22 : memref<!tpu.dma_semaphore, #tpu.memory_space<semaphore_mem>>) src(%dma_wait3A_98 : memref<10000x128xf32, #tpu.memory_space<hbm>>) dst(%arg15 : memref<128x128xf32, #tpu.memory_space<vmem>>)
      "tpu.region"() ({
        %run_scoped3A = tpu.sem_alloc : memref<!tpu.dma_semaphore, #tpu.memory_space<semaphore_mem>>
        %dma_start3A_122 = arith.constant 0 : i32
        %dma_start3A_123 = arith.constant 0 : i32
        %dma_start3A_124 = tpu.memref_slice %arg17[%dma_start3A_122, %dma_start3A_123] : memref<10112x128xf32, #tpu.memory_space<vmem_shared>> -> memref<10112x128xf32, #tpu.memory_space<vmem_shared>>
        tpu.enqueue_indirect_dma source(%arg15 : memref<128x128xf32, #tpu.memory_space<vmem>>) target(%dma_start3A_124 : memref<10112x128xf32, #tpu.memory_space<vmem_shared>>) offsets(%arg13 : memref<128xi32, #tpu.memory_space<vmem>>) semaphore(%run_scoped3A : memref<!tpu.dma_semaphore, #tpu.memory_space<semaphore_mem>>) {add = true}
        %dma_wait3A_125 = arith.constant 0 : i32
        %dma_wait3A_126 = arith.constant 0 : i32
        %dma_wait3A_127 = tpu.memref_slice %arg17[%dma_wait3A_125, %dma_wait3A_126] : memref<10112x128xf32, #tpu.memory_space<vmem_shared>> -> memref<10112x128xf32, #tpu.memory_space<vmem_shared>>
        tpu.wait_indirect_dma semaphore(%run_scoped3A : memref<!tpu.dma_semaphore, #tpu.memory_space<semaphore_mem>>) src(%arg15 : memref<128x128xf32, #tpu.memory_space<vmem>>) dst(%dma_wait3A_127 : memref<10112x128xf32, #tpu.memory_space<vmem_shared>>)
        tpu.yield
      }) : () -> ()
      %add3A_99 = arith.constant 2 : i32
      %add3A_100 = arith.addi %add3A_89, %add3A_99 : i32
      %lt3A_101 = arith.cmpi slt, %add3A_100, %select_n3A : i32
      %convert_element_type3A_102 = arith.extui %lt3A_101 : i1 to i32
      %cond3A_103 = arith.constant 0 : i32
      %cond3A_104 = arith.cmpi ne, %convert_element_type3A_102, %cond3A_103 : i32
      scf.if %cond3A_104 {
        %add3A_122 = arith.constant 2 : i32
        %add3A_123 = arith.addi %add3A_89, %add3A_122 : i32
        %mul3A_124 = arith.constant 128 : i32
        %mul3A_125 = arith.muli %add3A_123, %mul3A_124 : i32
        %add3A_126 = arith.addi %mul3A_12, %mul3A_125 : i32
        %dma_start3A_127 = tpu.memref_slice %arg3[%add3A_126] : memref<327680xi32, #tpu.memory_space<hbm>> -> memref<128xi32, #tpu.memory_space<hbm>>
        %dma_start3A_128 = tpu.memref_slice %arg3[%add3A_126] : memref<327680xi32, #tpu.memory_space<hbm>> -> memref<128xi32, #tpu.memory_space<hbm>>
        tpu.enqueue_dma source(%dma_start3A_128 : memref<128xi32, #tpu.memory_space<hbm>>) target(%arg7 : memref<128xi32, #tpu.memory_space<vmem>>) target_semaphore(%arg18 : memref<!tpu.dma_semaphore, #tpu.memory_space<semaphore_mem>>)
        %dma_start3A_129 = tpu.memref_slice %arg4[%add3A_126] : memref<327680xi32, #tpu.memory_space<hbm>> -> memref<128xi32, #tpu.memory_space<hbm>>
        %dma_start3A_130 = tpu.memref_slice %arg4[%add3A_126] : memref<327680xi32, #tpu.memory_space<hbm>> -> memref<128xi32, #tpu.memory_space<hbm>>
        tpu.enqueue_dma source(%dma_start3A_130 : memref<128xi32, #tpu.memory_space<hbm>>) target(%arg11 : memref<128xi32, #tpu.memory_space<vmem>>) target_semaphore(%arg18 : memref<!tpu.dma_semaphore, #tpu.memory_space<semaphore_mem>>)
      } else {
      }
      %add3A_105 = arith.constant 3 : i32
      %add3A_106 = arith.addi %add3A_53, %add3A_105 : i32
      %add3A_107 = arith.constant 1 : i32
      %add3A_108 = arith.addi %add3A_106, %add3A_107 : i32
      %lt3A_109 = arith.cmpi slt, %add3A_108, %select_n3A : i32
      %convert_element_type3A_110 = arith.extui %lt3A_109 : i1 to i32
      %cond3A_111 = arith.constant 0 : i32
      %cond3A_112 = arith.cmpi ne, %convert_element_type3A_110, %cond3A_111 : i32
      scf.if %cond3A_112 {
        %add3A_122 = arith.constant 1 : i32
        %add3A_123 = arith.addi %add3A_106, %add3A_122 : i32
        %mul3A_124 = arith.constant 128 : i32
        %mul3A_125 = arith.muli %add3A_123, %mul3A_124 : i32
        %add3A_126 = arith.addi %mul3A_12, %mul3A_125 : i32
        %dma_wait3A_127 = tpu.memref_slice %arg3[%add3A_126] : memref<327680xi32, #tpu.memory_space<hbm>> -> memref<128xi32, #tpu.memory_space<hbm>>
        %dma_wait3A_128 = tpu.memref_slice %arg3[%add3A_126] : memref<327680xi32, #tpu.memory_space<hbm>> -> memref<128xi32, #tpu.memory_space<hbm>>
        tpu.wait_dma2 semaphore(%arg18 : memref<!tpu.dma_semaphore, #tpu.memory_space<semaphore_mem>>) src(%dma_wait3A_128 : memref<128xi32, #tpu.memory_space<hbm>>) dst(%arg7 : memref<128xi32, #tpu.memory_space<vmem>>)
        %dma_wait3A_129 = tpu.memref_slice %arg4[%add3A_126] : memref<327680xi32, #tpu.memory_space<hbm>> -> memref<128xi32, #tpu.memory_space<hbm>>
        %dma_wait3A_130 = tpu.memref_slice %arg4[%add3A_126] : memref<327680xi32, #tpu.memory_space<hbm>> -> memref<128xi32, #tpu.memory_space<hbm>>
        tpu.wait_dma2 semaphore(%arg18 : memref<!tpu.dma_semaphore, #tpu.memory_space<semaphore_mem>>) src(%dma_wait3A_130 : memref<128xi32, #tpu.memory_space<hbm>>) dst(%arg11 : memref<128xi32, #tpu.memory_space<vmem>>)
        %dma_start3A_131 = arith.constant 0 : i32
        %dma_start3A_132 = arith.constant 0 : i32
        %dma_start3A_133 = tpu.memref_slice %arg2[%dma_start3A_131, %dma_start3A_132] : memref<10000x128xf32, #tpu.memory_space<hbm>> -> memref<10000x128xf32, #tpu.memory_space<hbm>>
        tpu.enqueue_indirect_dma source(%dma_start3A_133 : memref<10000x128xf32, #tpu.memory_space<hbm>>) target(%arg15 : memref<128x128xf32, #tpu.memory_space<vmem>>) offsets(%arg7 : memref<128xi32, #tpu.memory_space<vmem>>) semaphore(%arg22 : memref<!tpu.dma_semaphore, #tpu.memory_space<semaphore_mem>>)
      } else {
      }
      %dma_wait3A_113 = arith.constant 0 : i32
      %dma_wait3A_114 = arith.constant 0 : i32
      %dma_wait3A_115 = tpu.memref_slice %arg2[%dma_wait3A_113, %dma_wait3A_114] : memref<10000x128xf32, #tpu.memory_space<hbm>> -> memref<10000x128xf32, #tpu.memory_space<hbm>>
      tpu.wait_indirect_dma semaphore(%arg23 : memref<!tpu.dma_semaphore, #tpu.memory_space<semaphore_mem>>) src(%dma_wait3A_115 : memref<10000x128xf32, #tpu.memory_space<hbm>>) dst(%arg16 : memref<128x128xf32, #tpu.memory_space<vmem>>)
      "tpu.region"() ({
        %run_scoped3A = tpu.sem_alloc : memref<!tpu.dma_semaphore, #tpu.memory_space<semaphore_mem>>
        %dma_start3A_122 = arith.constant 0 : i32
        %dma_start3A_123 = arith.constant 0 : i32
        %dma_start3A_124 = tpu.memref_slice %arg17[%dma_start3A_122, %dma_start3A_123] : memref<10112x128xf32, #tpu.memory_space<vmem_shared>> -> memref<10112x128xf32, #tpu.memory_space<vmem_shared>>
        tpu.enqueue_indirect_dma source(%arg16 : memref<128x128xf32, #tpu.memory_space<vmem>>) target(%dma_start3A_124 : memref<10112x128xf32, #tpu.memory_space<vmem_shared>>) offsets(%arg14 : memref<128xi32, #tpu.memory_space<vmem>>) semaphore(%run_scoped3A : memref<!tpu.dma_semaphore, #tpu.memory_space<semaphore_mem>>) {add = true}
        %dma_wait3A_125 = arith.constant 0 : i32
        %dma_wait3A_126 = arith.constant 0 : i32
        %dma_wait3A_127 = tpu.memref_slice %arg17[%dma_wait3A_125, %dma_wait3A_126] : memref<10112x128xf32, #tpu.memory_space<vmem_shared>> -> memref<10112x128xf32, #tpu.memory_space<vmem_shared>>
        tpu.wait_indirect_dma semaphore(%run_scoped3A : memref<!tpu.dma_semaphore, #tpu.memory_space<semaphore_mem>>) src(%arg16 : memref<128x128xf32, #tpu.memory_space<vmem>>) dst(%dma_wait3A_127 : memref<10112x128xf32, #tpu.memory_space<vmem_shared>>)
        tpu.yield
      }) : () -> ()
      %add3A_116 = arith.constant 2 : i32
      %add3A_117 = arith.addi %add3A_106, %add3A_116 : i32
      %lt3A_118 = arith.cmpi slt, %add3A_117, %select_n3A : i32
      %convert_element_type3A_119 = arith.extui %lt3A_118 : i1 to i32
      %cond3A_120 = arith.constant 0 : i32
      %cond3A_121 = arith.cmpi ne, %convert_element_type3A_119, %cond3A_120 : i32
      scf.if %cond3A_121 {
        %add3A_122 = arith.constant 2 : i32
        %add3A_123 = arith.addi %add3A_106, %add3A_122 : i32
        %mul3A_124 = arith.constant 128 : i32
        %mul3A_125 = arith.muli %add3A_123, %mul3A_124 : i32
        %add3A_126 = arith.addi %mul3A_12, %mul3A_125 : i32
        %dma_start3A_127 = tpu.memref_slice %arg3[%add3A_126] : memref<327680xi32, #tpu.memory_space<hbm>> -> memref<128xi32, #tpu.memory_space<hbm>>
        %dma_start3A_128 = tpu.memref_slice %arg3[%add3A_126] : memref<327680xi32, #tpu.memory_space<hbm>> -> memref<128xi32, #tpu.memory_space<hbm>>
        tpu.enqueue_dma source(%dma_start3A_128 : memref<128xi32, #tpu.memory_space<hbm>>) target(%arg8 : memref<128xi32, #tpu.memory_space<vmem>>) target_semaphore(%arg19 : memref<!tpu.dma_semaphore, #tpu.memory_space<semaphore_mem>>)
        %dma_start3A_129 = tpu.memref_slice %arg4[%add3A_126] : memref<327680xi32, #tpu.memory_space<hbm>> -> memref<128xi32, #tpu.memory_space<hbm>>
        %dma_start3A_130 = tpu.memref_slice %arg4[%add3A_126] : memref<327680xi32, #tpu.memory_space<hbm>> -> memref<128xi32, #tpu.memory_space<hbm>>
        tpu.enqueue_dma source(%dma_start3A_130 : memref<128xi32, #tpu.memory_space<hbm>>) target(%arg12 : memref<128xi32, #tpu.memory_space<vmem>>) target_semaphore(%arg19 : memref<!tpu.dma_semaphore, #tpu.memory_space<semaphore_mem>>)
      } else {
      }
    }
    %while3A_47 = arith.constant 1 : i32
    scf.for %while3A_51 = %while3A_45 to %while3A_41 step %while3A_47  : i32 {
      %mul3A_52 = arith.muli %while3A_51, %while3A : i32
      %add3A_53 = arith.addi %while3A_38, %mul3A_52 : i32
      %add3A_54 = arith.constant 0 : i32
      %add3A_55 = arith.addi %add3A_53, %add3A_54 : i32
      %add3A_56 = arith.constant 1 : i32
      %add3A_57 = arith.addi %add3A_55, %add3A_56 : i32
      %lt3A_58 = arith.cmpi slt, %add3A_57, %select_n3A : i32
      %convert_element_type3A_59 = arith.extui %lt3A_58 : i1 to i32
      %cond3A_60 = arith.constant 0 : i32
      %cond3A_61 = arith.cmpi ne, %convert_element_type3A_59, %cond3A_60 : i32
      scf.if %cond3A_61 {
        %add3A_122 = arith.constant 1 : i32
        %add3A_123 = arith.addi %add3A_55, %add3A_122 : i32
        %mul3A_124 = arith.constant 128 : i32
        %mul3A_125 = arith.muli %add3A_123, %mul3A_124 : i32
        %add3A_126 = arith.addi %mul3A_12, %mul3A_125 : i32
        %dma_wait3A_127 = tpu.memref_slice %arg3[%add3A_126] : memref<327680xi32, #tpu.memory_space<hbm>> -> memref<128xi32, #tpu.memory_space<hbm>>
        %dma_wait3A_128 = tpu.memref_slice %arg3[%add3A_126] : memref<327680xi32, #tpu.memory_space<hbm>> -> memref<128xi32, #tpu.memory_space<hbm>>
        tpu.wait_dma2 semaphore(%arg19 : memref<!tpu.dma_semaphore, #tpu.memory_space<semaphore_mem>>) src(%dma_wait3A_128 : memref<128xi32, #tpu.memory_space<hbm>>) dst(%arg8 : memref<128xi32, #tpu.memory_space<vmem>>)
        %dma_wait3A_129 = tpu.memref_slice %arg4[%add3A_126] : memref<327680xi32, #tpu.memory_space<hbm>> -> memref<128xi32, #tpu.memory_space<hbm>>
        %dma_wait3A_130 = tpu.memref_slice %arg4[%add3A_126] : memref<327680xi32, #tpu.memory_space<hbm>> -> memref<128xi32, #tpu.memory_space<hbm>>
        tpu.wait_dma2 semaphore(%arg19 : memref<!tpu.dma_semaphore, #tpu.memory_space<semaphore_mem>>) src(%dma_wait3A_130 : memref<128xi32, #tpu.memory_space<hbm>>) dst(%arg12 : memref<128xi32, #tpu.memory_space<vmem>>)
        %dma_start3A_131 = arith.constant 0 : i32
        %dma_start3A_132 = arith.constant 0 : i32
        %dma_start3A_133 = tpu.memref_slice %arg2[%dma_start3A_131, %dma_start3A_132] : memref<10000x128xf32, #tpu.memory_space<hbm>> -> memref<10000x128xf32, #tpu.memory_space<hbm>>
        tpu.enqueue_indirect_dma source(%dma_start3A_133 : memref<10000x128xf32, #tpu.memory_space<hbm>>) target(%arg16 : memref<128x128xf32, #tpu.memory_space<vmem>>) offsets(%arg8 : memref<128xi32, #tpu.memory_space<vmem>>) semaphore(%arg23 : memref<!tpu.dma_semaphore, #tpu.memory_space<semaphore_mem>>)
      } else {
      }
      %dma_wait3A_62 = arith.constant 0 : i32
      %dma_wait3A_63 = arith.constant 0 : i32
      %dma_wait3A_64 = tpu.memref_slice %arg2[%dma_wait3A_62, %dma_wait3A_63] : memref<10000x128xf32, #tpu.memory_space<hbm>> -> memref<10000x128xf32, #tpu.memory_space<hbm>>
      tpu.wait_indirect_dma semaphore(%arg22 : memref<!tpu.dma_semaphore, #tpu.memory_space<semaphore_mem>>) src(%dma_wait3A_64 : memref<10000x128xf32, #tpu.memory_space<hbm>>) dst(%arg15 : memref<128x128xf32, #tpu.memory_space<vmem>>)
      "tpu.region"() ({
        %run_scoped3A = tpu.sem_alloc : memref<!tpu.dma_semaphore, #tpu.memory_space<semaphore_mem>>
        %dma_start3A_122 = arith.constant 0 : i32
        %dma_start3A_123 = arith.constant 0 : i32
        %dma_start3A_124 = tpu.memref_slice %arg17[%dma_start3A_122, %dma_start3A_123] : memref<10112x128xf32, #tpu.memory_space<vmem_shared>> -> memref<10112x128xf32, #tpu.memory_space<vmem_shared>>
        tpu.enqueue_indirect_dma source(%arg15 : memref<128x128xf32, #tpu.memory_space<vmem>>) target(%dma_start3A_124 : memref<10112x128xf32, #tpu.memory_space<vmem_shared>>) offsets(%arg11 : memref<128xi32, #tpu.memory_space<vmem>>) semaphore(%run_scoped3A : memref<!tpu.dma_semaphore, #tpu.memory_space<semaphore_mem>>) {add = true}
        %dma_wait3A_125 = arith.constant 0 : i32
        %dma_wait3A_126 = arith.constant 0 : i32
        %dma_wait3A_127 = tpu.memref_slice %arg17[%dma_wait3A_125, %dma_wait3A_126] : memref<10112x128xf32, #tpu.memory_space<vmem_shared>> -> memref<10112x128xf32, #tpu.memory_space<vmem_shared>>
        tpu.wait_indirect_dma semaphore(%run_scoped3A : memref<!tpu.dma_semaphore, #tpu.memory_space<semaphore_mem>>) src(%arg15 : memref<128x128xf32, #tpu.memory_space<vmem>>) dst(%dma_wait3A_127 : memref<10112x128xf32, #tpu.memory_space<vmem_shared>>)
        tpu.yield
      }) : () -> ()
      %add3A_65 = arith.constant 2 : i32
      %add3A_66 = arith.addi %add3A_55, %add3A_65 : i32
      %lt3A_67 = arith.cmpi slt, %add3A_66, %select_n3A : i32
      %convert_element_type3A_68 = arith.extui %lt3A_67 : i1 to i32
      %cond3A_69 = arith.constant 0 : i32
      %cond3A_70 = arith.cmpi ne, %convert_element_type3A_68, %cond3A_69 : i32
      scf.if %cond3A_70 {
        %add3A_122 = arith.constant 2 : i32
        %add3A_123 = arith.addi %add3A_55, %add3A_122 : i32
        %mul3A_124 = arith.constant 128 : i32
        %mul3A_125 = arith.muli %add3A_123, %mul3A_124 : i32
        %add3A_126 = arith.addi %mul3A_12, %mul3A_125 : i32
        %dma_start3A_127 = tpu.memref_slice %arg3[%add3A_126] : memref<327680xi32, #tpu.memory_space<hbm>> -> memref<128xi32, #tpu.memory_space<hbm>>
        %dma_start3A_128 = tpu.memref_slice %arg3[%add3A_126] : memref<327680xi32, #tpu.memory_space<hbm>> -> memref<128xi32, #tpu.memory_space<hbm>>
        tpu.enqueue_dma source(%dma_start3A_128 : memref<128xi32, #tpu.memory_space<hbm>>) target(%arg9 : memref<128xi32, #tpu.memory_space<vmem>>) target_semaphore(%arg20 : memref<!tpu.dma_semaphore, #tpu.memory_space<semaphore_mem>>)
        %dma_start3A_129 = tpu.memref_slice %arg4[%add3A_126] : memref<327680xi32, #tpu.memory_space<hbm>> -> memref<128xi32, #tpu.memory_space<hbm>>
        %dma_start3A_130 = tpu.memref_slice %arg4[%add3A_126] : memref<327680xi32, #tpu.memory_space<hbm>> -> memref<128xi32, #tpu.memory_space<hbm>>
        tpu.enqueue_dma source(%dma_start3A_130 : memref<128xi32, #tpu.memory_space<hbm>>) target(%arg13 : memref<128xi32, #tpu.memory_space<vmem>>) target_semaphore(%arg20 : memref<!tpu.dma_semaphore, #tpu.memory_space<semaphore_mem>>)
      } else {
      }
      %add3A_71 = arith.constant 1 : i32
      %add3A_72 = arith.addi %add3A_53, %add3A_71 : i32
      %add3A_73 = arith.constant 1 : i32
      %add3A_74 = arith.addi %add3A_72, %add3A_73 : i32
      %lt3A_75 = arith.cmpi slt, %add3A_74, %select_n3A : i32
      %convert_element_type3A_76 = arith.extui %lt3A_75 : i1 to i32
      %cond3A_77 = arith.constant 0 : i32
      %cond3A_78 = arith.cmpi ne, %convert_element_type3A_76, %cond3A_77 : i32
      scf.if %cond3A_78 {
        %add3A_122 = arith.constant 1 : i32
        %add3A_123 = arith.addi %add3A_72, %add3A_122 : i32
        %mul3A_124 = arith.constant 128 : i32
        %mul3A_125 = arith.muli %add3A_123, %mul3A_124 : i32
        %add3A_126 = arith.addi %mul3A_12, %mul3A_125 : i32
        %dma_wait3A_127 = tpu.memref_slice %arg3[%add3A_126] : memref<327680xi32, #tpu.memory_space<hbm>> -> memref<128xi32, #tpu.memory_space<hbm>>
        %dma_wait3A_128 = tpu.memref_slice %arg3[%add3A_126] : memref<327680xi32, #tpu.memory_space<hbm>> -> memref<128xi32, #tpu.memory_space<hbm>>
        tpu.wait_dma2 semaphore(%arg20 : memref<!tpu.dma_semaphore, #tpu.memory_space<semaphore_mem>>) src(%dma_wait3A_128 : memref<128xi32, #tpu.memory_space<hbm>>) dst(%arg9 : memref<128xi32, #tpu.memory_space<vmem>>)
        %dma_wait3A_129 = tpu.memref_slice %arg4[%add3A_126] : memref<327680xi32, #tpu.memory_space<hbm>> -> memref<128xi32, #tpu.memory_space<hbm>>
        %dma_wait3A_130 = tpu.memref_slice %arg4[%add3A_126] : memref<327680xi32, #tpu.memory_space<hbm>> -> memref<128xi32, #tpu.memory_space<hbm>>
        tpu.wait_dma2 semaphore(%arg20 : memref<!tpu.dma_semaphore, #tpu.memory_space<semaphore_mem>>) src(%dma_wait3A_130 : memref<128xi32, #tpu.memory_space<hbm>>) dst(%arg13 : memref<128xi32, #tpu.memory_space<vmem>>)
        %dma_start3A_131 = arith.constant 0 : i32
        %dma_start3A_132 = arith.constant 0 : i32
        %dma_start3A_133 = tpu.memref_slice %arg2[%dma_start3A_131, %dma_start3A_132] : memref<10000x128xf32, #tpu.memory_space<hbm>> -> memref<10000x128xf32, #tpu.memory_space<hbm>>
        tpu.enqueue_indirect_dma source(%dma_start3A_133 : memref<10000x128xf32, #tpu.memory_space<hbm>>) target(%arg15 : memref<128x128xf32, #tpu.memory_space<vmem>>) offsets(%arg9 : memref<128xi32, #tpu.memory_space<vmem>>) semaphore(%arg22 : memref<!tpu.dma_semaphore, #tpu.memory_space<semaphore_mem>>)
      } else {
      }
      %dma_wait3A_79 = arith.constant 0 : i32
      %dma_wait3A_80 = arith.constant 0 : i32
      %dma_wait3A_81 = tpu.memref_slice %arg2[%dma_wait3A_79, %dma_wait3A_80] : memref<10000x128xf32, #tpu.memory_space<hbm>> -> memref<10000x128xf32, #tpu.memory_space<hbm>>
      tpu.wait_indirect_dma semaphore(%arg23 : memref<!tpu.dma_semaphore, #tpu.memory_space<semaphore_mem>>) src(%dma_wait3A_81 : memref<10000x128xf32, #tpu.memory_space<hbm>>) dst(%arg16 : memref<128x128xf32, #tpu.memory_space<vmem>>)
      "tpu.region"() ({
        %run_scoped3A = tpu.sem_alloc : memref<!tpu.dma_semaphore, #tpu.memory_space<semaphore_mem>>
        %dma_start3A_122 = arith.constant 0 : i32
        %dma_start3A_123 = arith.constant 0 : i32
        %dma_start3A_124 = tpu.memref_slice %arg17[%dma_start3A_122, %dma_start3A_123] : memref<10112x128xf32, #tpu.memory_space<vmem_shared>> -> memref<10112x128xf32, #tpu.memory_space<vmem_shared>>
        tpu.enqueue_indirect_dma source(%arg16 : memref<128x128xf32, #tpu.memory_space<vmem>>) target(%dma_start3A_124 : memref<10112x128xf32, #tpu.memory_space<vmem_shared>>) offsets(%arg12 : memref<128xi32, #tpu.memory_space<vmem>>) semaphore(%run_scoped3A : memref<!tpu.dma_semaphore, #tpu.memory_space<semaphore_mem>>) {add = true}
        %dma_wait3A_125 = arith.constant 0 : i32
        %dma_wait3A_126 = arith.constant 0 : i32
        %dma_wait3A_127 = tpu.memref_slice %arg17[%dma_wait3A_125, %dma_wait3A_126] : memref<10112x128xf32, #tpu.memory_space<vmem_shared>> -> memref<10112x128xf32, #tpu.memory_space<vmem_shared>>
        tpu.wait_indirect_dma semaphore(%run_scoped3A : memref<!tpu.dma_semaphore, #tpu.memory_space<semaphore_mem>>) src(%arg16 : memref<128x128xf32, #tpu.memory_space<vmem>>) dst(%dma_wait3A_127 : memref<10112x128xf32, #tpu.memory_space<vmem_shared>>)
        tpu.yield
      }) : () -> ()
      %add3A_82 = arith.constant 2 : i32
      %add3A_83 = arith.addi %add3A_72, %add3A_82 : i32
      %lt3A_84 = arith.cmpi slt, %add3A_83, %select_n3A : i32
      %convert_element_type3A_85 = arith.extui %lt3A_84 : i1 to i32
      %cond3A_86 = arith.constant 0 : i32
      %cond3A_87 = arith.cmpi ne, %convert_element_type3A_85, %cond3A_86 : i32
      scf.if %cond3A_87 {
        %add3A_122 = arith.constant 2 : i32
        %add3A_123 = arith.addi %add3A_72, %add3A_122 : i32
        %mul3A_124 = arith.constant 128 : i32
        %mul3A_125 = arith.muli %add3A_123, %mul3A_124 : i32
        %add3A_126 = arith.addi %mul3A_12, %mul3A_125 : i32
        %dma_start3A_127 = tpu.memref_slice %arg3[%add3A_126] : memref<327680xi32, #tpu.memory_space<hbm>> -> memref<128xi32, #tpu.memory_space<hbm>>
        %dma_start3A_128 = tpu.memref_slice %arg3[%add3A_126] : memref<327680xi32, #tpu.memory_space<hbm>> -> memref<128xi32, #tpu.memory_space<hbm>>
        tpu.enqueue_dma source(%dma_start3A_128 : memref<128xi32, #tpu.memory_space<hbm>>) target(%arg10 : memref<128xi32, #tpu.memory_space<vmem>>) target_semaphore(%arg21 : memref<!tpu.dma_semaphore, #tpu.memory_space<semaphore_mem>>)
        %dma_start3A_129 = tpu.memref_slice %arg4[%add3A_126] : memref<327680xi32, #tpu.memory_space<hbm>> -> memref<128xi32, #tpu.memory_space<hbm>>
        %dma_start3A_130 = tpu.memref_slice %arg4[%add3A_126] : memref<327680xi32, #tpu.memory_space<hbm>> -> memref<128xi32, #tpu.memory_space<hbm>>
        tpu.enqueue_dma source(%dma_start3A_130 : memref<128xi32, #tpu.memory_space<hbm>>) target(%arg14 : memref<128xi32, #tpu.memory_space<vmem>>) target_semaphore(%arg21 : memref<!tpu.dma_semaphore, #tpu.memory_space<semaphore_mem>>)
      } else {
      }
      %add3A_88 = arith.constant 2 : i32
      %add3A_89 = arith.addi %add3A_53, %add3A_88 : i32
      %add3A_90 = arith.constant 1 : i32
      %add3A_91 = arith.addi %add3A_89, %add3A_90 : i32
      %lt3A_92 = arith.cmpi slt, %add3A_91, %select_n3A : i32
      %convert_element_type3A_93 = arith.extui %lt3A_92 : i1 to i32
      %cond3A_94 = arith.constant 0 : i32
      %cond3A_95 = arith.cmpi ne, %convert_element_type3A_93, %cond3A_94 : i32
      scf.if %cond3A_95 {
        %add3A_122 = arith.constant 1 : i32
        %add3A_123 = arith.addi %add3A_89, %add3A_122 : i32
        %mul3A_124 = arith.constant 128 : i32
        %mul3A_125 = arith.muli %add3A_123, %mul3A_124 : i32
        %add3A_126 = arith.addi %mul3A_12, %mul3A_125 : i32
        %dma_wait3A_127 = tpu.memref_slice %arg3[%add3A_126] : memref<327680xi32, #tpu.memory_space<hbm>> -> memref<128xi32, #tpu.memory_space<hbm>>
        %dma_wait3A_128 = tpu.memref_slice %arg3[%add3A_126] : memref<327680xi32, #tpu.memory_space<hbm>> -> memref<128xi32, #tpu.memory_space<hbm>>
        tpu.wait_dma2 semaphore(%arg21 : memref<!tpu.dma_semaphore, #tpu.memory_space<semaphore_mem>>) src(%dma_wait3A_128 : memref<128xi32, #tpu.memory_space<hbm>>) dst(%arg10 : memref<128xi32, #tpu.memory_space<vmem>>)
        %dma_wait3A_129 = tpu.memref_slice %arg4[%add3A_126] : memref<327680xi32, #tpu.memory_space<hbm>> -> memref<128xi32, #tpu.memory_space<hbm>>
        %dma_wait3A_130 = tpu.memref_slice %arg4[%add3A_126] : memref<327680xi32, #tpu.memory_space<hbm>> -> memref<128xi32, #tpu.memory_space<hbm>>
        tpu.wait_dma2 semaphore(%arg21 : memref<!tpu.dma_semaphore, #tpu.memory_space<semaphore_mem>>) src(%dma_wait3A_130 : memref<128xi32, #tpu.memory_space<hbm>>) dst(%arg14 : memref<128xi32, #tpu.memory_space<vmem>>)
        %dma_start3A_131 = arith.constant 0 : i32
        %dma_start3A_132 = arith.constant 0 : i32
        %dma_start3A_133 = tpu.memref_slice %arg2[%dma_start3A_131, %dma_start3A_132] : memref<10000x128xf32, #tpu.memory_space<hbm>> -> memref<10000x128xf32, #tpu.memory_space<hbm>>
        tpu.enqueue_indirect_dma source(%dma_start3A_133 : memref<10000x128xf32, #tpu.memory_space<hbm>>) target(%arg16 : memref<128x128xf32, #tpu.memory_space<vmem>>) offsets(%arg10 : memref<128xi32, #tpu.memory_space<vmem>>) semaphore(%arg23 : memref<!tpu.dma_semaphore, #tpu.memory_space<semaphore_mem>>)
      } else {
      }
      %dma_wait3A_96 = arith.constant 0 : i32
      %dma_wait3A_97 = arith.constant 0 : i32
      %dma_wait3A_98 = tpu.memref_slice %arg2[%dma_wait3A_96, %dma_wait3A_97] : memref<10000x128xf32, #tpu.memory_space<hbm>> -> memref<10000x128xf32, #tpu.memory_space<hbm>>
      tpu.wait_indirect_dma semaphore(%arg22 : memref<!tpu.dma_semaphore, #tpu.memory_space<semaphore_mem>>) src(%dma_wait3A_98 : memref<10000x128xf32, #tpu.memory_space<hbm>>) dst(%arg15 : memref<128x128xf32, #tpu.memory_space<vmem>>)
      "tpu.region"() ({
        %run_scoped3A = tpu.sem_alloc : memref<!tpu.dma_semaphore, #tpu.memory_space<semaphore_mem>>
        %dma_start3A_122 = arith.constant 0 : i32
        %dma_start3A_123 = arith.constant 0 : i32
        %dma_start3A_124 = tpu.memref_slice %arg17[%dma_start3A_122, %dma_start3A_123] : memref<10112x128xf32, #tpu.memory_space<vmem_shared>> -> memref<10112x128xf32, #tpu.memory_space<vmem_shared>>
        tpu.enqueue_indirect_dma source(%arg15 : memref<128x128xf32, #tpu.memory_space<vmem>>) target(%dma_start3A_124 : memref<10112x128xf32, #tpu.memory_space<vmem_shared>>) offsets(%arg13 : memref<128xi32, #tpu.memory_space<vmem>>) semaphore(%run_scoped3A : memref<!tpu.dma_semaphore, #tpu.memory_space<semaphore_mem>>) {add = true}
        %dma_wait3A_125 = arith.constant 0 : i32
        %dma_wait3A_126 = arith.constant 0 : i32
        %dma_wait3A_127 = tpu.memref_slice %arg17[%dma_wait3A_125, %dma_wait3A_126] : memref<10112x128xf32, #tpu.memory_space<vmem_shared>> -> memref<10112x128xf32, #tpu.memory_space<vmem_shared>>
        tpu.wait_indirect_dma semaphore(%run_scoped3A : memref<!tpu.dma_semaphore, #tpu.memory_space<semaphore_mem>>) src(%arg15 : memref<128x128xf32, #tpu.memory_space<vmem>>) dst(%dma_wait3A_127 : memref<10112x128xf32, #tpu.memory_space<vmem_shared>>)
        tpu.yield
      }) : () -> ()
      %add3A_99 = arith.constant 2 : i32
      %add3A_100 = arith.addi %add3A_89, %add3A_99 : i32
      %lt3A_101 = arith.cmpi slt, %add3A_100, %select_n3A : i32
      %convert_element_type3A_102 = arith.extui %lt3A_101 : i1 to i32
      %cond3A_103 = arith.constant 0 : i32
      %cond3A_104 = arith.cmpi ne, %convert_element_type3A_102, %cond3A_103 : i32
      scf.if %cond3A_104 {
        %add3A_122 = arith.constant 2 : i32
        %add3A_123 = arith.addi %add3A_89, %add3A_122 : i32
        %mul3A_124 = arith.constant 128 : i32
        %mul3A_125 = arith.muli %add3A_123, %mul3A_124 : i32
        %add3A_126 = arith.addi %mul3A_12, %mul3A_125 : i32
        %dma_start3A_127 = tpu.memref_slice %arg3[%add3A_126] : memref<327680xi32, #tpu.memory_space<hbm>> -> memref<128xi32, #tpu.memory_space<hbm>>
        %dma_start3A_128 = tpu.memref_slice %arg3[%add3A_126] : memref<327680xi32, #tpu.memory_space<hbm>> -> memref<128xi32, #tpu.memory_space<hbm>>
        tpu.enqueue_dma source(%dma_start3A_128 : memref<128xi32, #tpu.memory_space<hbm>>) target(%arg7 : memref<128xi32, #tpu.memory_space<vmem>>) target_semaphore(%arg18 : memref<!tpu.dma_semaphore, #tpu.memory_space<semaphore_mem>>)
        %dma_start3A_129 = tpu.memref_slice %arg4[%add3A_126] : memref<327680xi32, #tpu.memory_space<hbm>> -> memref<128xi32, #tpu.memory_space<hbm>>
        %dma_start3A_130 = tpu.memref_slice %arg4[%add3A_126] : memref<327680xi32, #tpu.memory_space<hbm>> -> memref<128xi32, #tpu.memory_space<hbm>>
        tpu.enqueue_dma source(%dma_start3A_130 : memref<128xi32, #tpu.memory_space<hbm>>) target(%arg11 : memref<128xi32, #tpu.memory_space<vmem>>) target_semaphore(%arg18 : memref<!tpu.dma_semaphore, #tpu.memory_space<semaphore_mem>>)
      } else {
      }
      %add3A_105 = arith.constant 3 : i32
      %add3A_106 = arith.addi %add3A_53, %add3A_105 : i32
      %add3A_107 = arith.constant 1 : i32
      %add3A_108 = arith.addi %add3A_106, %add3A_107 : i32
      %lt3A_109 = arith.cmpi slt, %add3A_108, %select_n3A : i32
      %convert_element_type3A_110 = arith.extui %lt3A_109 : i1 to i32
      %cond3A_111 = arith.constant 0 : i32
      %cond3A_112 = arith.cmpi ne, %convert_element_type3A_110, %cond3A_111 : i32
      scf.if %cond3A_112 {
        %add3A_122 = arith.constant 1 : i32
        %add3A_123 = arith.addi %add3A_106, %add3A_122 : i32
        %mul3A_124 = arith.constant 128 : i32
        %mul3A_125 = arith.muli %add3A_123, %mul3A_124 : i32
        %add3A_126 = arith.addi %mul3A_12, %mul3A_125 : i32
        %dma_wait3A_127 = tpu.memref_slice %arg3[%add3A_126] : memref<327680xi32, #tpu.memory_space<hbm>> -> memref<128xi32, #tpu.memory_space<hbm>>
        %dma_wait3A_128 = tpu.memref_slice %arg3[%add3A_126] : memref<327680xi32, #tpu.memory_space<hbm>> -> memref<128xi32, #tpu.memory_space<hbm>>
        tpu.wait_dma2 semaphore(%arg18 : memref<!tpu.dma_semaphore, #tpu.memory_space<semaphore_mem>>) src(%dma_wait3A_128 : memref<128xi32, #tpu.memory_space<hbm>>) dst(%arg7 : memref<128xi32, #tpu.memory_space<vmem>>)
        %dma_wait3A_129 = tpu.memref_slice %arg4[%add3A_126] : memref<327680xi32, #tpu.memory_space<hbm>> -> memref<128xi32, #tpu.memory_space<hbm>>
        %dma_wait3A_130 = tpu.memref_slice %arg4[%add3A_126] : memref<327680xi32, #tpu.memory_space<hbm>> -> memref<128xi32, #tpu.memory_space<hbm>>
        tpu.wait_dma2 semaphore(%arg18 : memref<!tpu.dma_semaphore, #tpu.memory_space<semaphore_mem>>) src(%dma_wait3A_130 : memref<128xi32, #tpu.memory_space<hbm>>) dst(%arg11 : memref<128xi32, #tpu.memory_space<vmem>>)
        %dma_start3A_131 = arith.constant 0 : i32
        %dma_start3A_132 = arith.constant 0 : i32
        %dma_start3A_133 = tpu.memref_slice %arg2[%dma_start3A_131, %dma_start3A_132] : memref<10000x128xf32, #tpu.memory_space<hbm>> -> memref<10000x128xf32, #tpu.memory_space<hbm>>
        tpu.enqueue_indirect_dma source(%dma_start3A_133 : memref<10000x128xf32, #tpu.memory_space<hbm>>) target(%arg15 : memref<128x128xf32, #tpu.memory_space<vmem>>) offsets(%arg7 : memref<128xi32, #tpu.memory_space<vmem>>) semaphore(%arg22 : memref<!tpu.dma_semaphore, #tpu.memory_space<semaphore_mem>>)
      } else {
      }
      %dma_wait3A_113 = arith.constant 0 : i32
      %dma_wait3A_114 = arith.constant 0 : i32
      %dma_wait3A_115 = tpu.memref_slice %arg2[%dma_wait3A_113, %dma_wait3A_114] : memref<10000x128xf32, #tpu.memory_space<hbm>> -> memref<10000x128xf32, #tpu.memory_space<hbm>>
      tpu.wait_indirect_dma semaphore(%arg23 : memref<!tpu.dma_semaphore, #tpu.memory_space<semaphore_mem>>) src(%dma_wait3A_115 : memref<10000x128xf32, #tpu.memory_space<hbm>>) dst(%arg16 : memref<128x128xf32, #tpu.memory_space<vmem>>)
      "tpu.region"() ({
        %run_scoped3A = tpu.sem_alloc : memref<!tpu.dma_semaphore, #tpu.memory_space<semaphore_mem>>
        %dma_start3A_122 = arith.constant 0 : i32
        %dma_start3A_123 = arith.constant 0 : i32
        %dma_start3A_124 = tpu.memref_slice %arg17[%dma_start3A_122, %dma_start3A_123] : memref<10112x128xf32, #tpu.memory_space<vmem_shared>> -> memref<10112x128xf32, #tpu.memory_space<vmem_shared>>
        tpu.enqueue_indirect_dma source(%arg16 : memref<128x128xf32, #tpu.memory_space<vmem>>) target(%dma_start3A_124 : memref<10112x128xf32, #tpu.memory_space<vmem_shared>>) offsets(%arg14 : memref<128xi32, #tpu.memory_space<vmem>>) semaphore(%run_scoped3A : memref<!tpu.dma_semaphore, #tpu.memory_space<semaphore_mem>>) {add = true}
        %dma_wait3A_125 = arith.constant 0 : i32
        %dma_wait3A_126 = arith.constant 0 : i32
        %dma_wait3A_127 = tpu.memref_slice %arg17[%dma_wait3A_125, %dma_wait3A_126] : memref<10112x128xf32, #tpu.memory_space<vmem_shared>> -> memref<10112x128xf32, #tpu.memory_space<vmem_shared>>
        tpu.wait_indirect_dma semaphore(%run_scoped3A : memref<!tpu.dma_semaphore, #tpu.memory_space<semaphore_mem>>) src(%arg16 : memref<128x128xf32, #tpu.memory_space<vmem>>) dst(%dma_wait3A_127 : memref<10112x128xf32, #tpu.memory_space<vmem_shared>>)
        tpu.yield
      }) : () -> ()
      %add3A_116 = arith.constant 2 : i32
      %add3A_117 = arith.addi %add3A_106, %add3A_116 : i32
      %lt3A_118 = arith.cmpi slt, %add3A_117, %select_n3A : i32
      %convert_element_type3A_119 = arith.extui %lt3A_118 : i1 to i32
      %cond3A_120 = arith.constant 0 : i32
      %cond3A_121 = arith.cmpi ne, %convert_element_type3A_119, %cond3A_120 : i32
      scf.if %cond3A_121 {
        %add3A_122 = arith.constant 2 : i32
        %add3A_123 = arith.addi %add3A_106, %add3A_122 : i32
        %mul3A_124 = arith.constant 128 : i32
        %mul3A_125 = arith.muli %add3A_123, %mul3A_124 : i32
        %add3A_126 = arith.addi %mul3A_12, %mul3A_125 : i32
        %dma_start3A_127 = tpu.memref_slice %arg3[%add3A_126] : memref<327680xi32, #tpu.memory_space<hbm>> -> memref<128xi32, #tpu.memory_space<hbm>>
        %dma_start3A_128 = tpu.memref_slice %arg3[%add3A_126] : memref<327680xi32, #tpu.memory_space<hbm>> -> memref<128xi32, #tpu.memory_space<hbm>>
        tpu.enqueue_dma source(%dma_start3A_128 : memref<128xi32, #tpu.memory_space<hbm>>) target(%arg8 : memref<128xi32, #tpu.memory_space<vmem>>) target_semaphore(%arg19 : memref<!tpu.dma_semaphore, #tpu.memory_space<semaphore_mem>>)
        %dma_start3A_129 = tpu.memref_slice %arg4[%add3A_126] : memref<327680xi32, #tpu.memory_space<hbm>> -> memref<128xi32, #tpu.memory_space<hbm>>
        %dma_start3A_130 = tpu.memref_slice %arg4[%add3A_126] : memref<327680xi32, #tpu.memory_space<hbm>> -> memref<128xi32, #tpu.memory_space<hbm>>
        tpu.enqueue_dma source(%dma_start3A_130 : memref<128xi32, #tpu.memory_space<hbm>>) target(%arg12 : memref<128xi32, #tpu.memory_space<vmem>>) target_semaphore(%arg19 : memref<!tpu.dma_semaphore, #tpu.memory_space<semaphore_mem>>)
      } else {
      }
    }
    %barrier3A_48 = arith.constant 0 : index
    tpu.barrier barrier_id(%barrier3A_48)
    %lt3A = arith.constant 10 : i32
    %lt3A_49 = arith.cmpi slt, %arg1, %lt3A : i32
    %convert_element_type3A = arith.extui %lt3A_49 : i1 to i32
    %cond3A = arith.constant 0 : i32
    %cond3A_50 = arith.cmpi ne, %convert_element_type3A, %cond3A : i32
    scf.if %cond3A_50 {
      %mul3A_51 = arith.constant 1000 : i32
      %mul3A_52 = arith.muli %arg1, %mul3A_51 : i32
      %mul3A_53 = arith.constant 10000 : i32
      %mul3A_54 = arith.muli %arg0, %mul3A_53 : i32
      %mul3A_55 = arith.constant 1000 : i32
      %mul3A_56 = arith.muli %arg1, %mul3A_55 : i32
      %add3A_57 = arith.addi %mul3A_54, %mul3A_56 : i32
      "tpu.region"() ({
        %run_scoped3A = tpu.sem_alloc : memref<!tpu.dma_semaphore, #tpu.memory_space<semaphore_mem>>
        %dma_start3A_58 = arith.constant 0 : i32
        %dma_start3A_59 = tpu.memref_slice %arg6[%add3A_57, %dma_start3A_58] : memref<20000x128xf32, #tpu.memory_space<hbm>> -> memref<1000x128xf32, #tpu.memory_space<hbm>>
        %dma_start3A_60 = arith.constant 0 : i32
        %dma_start3A_61 = tpu.memref_slice %arg17[%mul3A_52, %dma_start3A_60] : memref<10112x128xf32, #tpu.memory_space<vmem_shared>> -> memref<1000x128xf32, #tpu.memory_space<vmem_shared>>
        tpu.enqueue_dma source(%dma_start3A_61 : memref<1000x128xf32, #tpu.memory_space<vmem_shared>>) target(%dma_start3A_59 : memref<1000x128xf32, #tpu.memory_space<hbm>>) target_semaphore(%run_scoped3A : memref<!tpu.dma_semaphore, #tpu.memory_space<semaphore_mem>>)
        %dma_wait3A_62 = arith.constant 0 : i32
        %dma_wait3A_63 = tpu.memref_slice %arg6[%add3A_57, %dma_wait3A_62] : memref<20000x128xf32, #tpu.memory_space<hbm>> -> memref<1000x128xf32, #tpu.memory_space<hbm>>
        %dma_wait3A_64 = arith.constant 0 : i32
        %dma_wait3A_65 = tpu.memref_slice %arg17[%mul3A_52, %dma_wait3A_64] : memref<10112x128xf32, #tpu.memory_space<vmem_shared>> -> memref<1000x128xf32, #tpu.memory_space<vmem_shared>>
        tpu.wait_dma2 semaphore(%run_scoped3A : memref<!tpu.dma_semaphore, #tpu.memory_space<semaphore_mem>>) src(%dma_wait3A_65 : memref<1000x128xf32, #tpu.memory_space<vmem_shared>>) dst(%dma_wait3A_63 : memref<1000x128xf32, #tpu.memory_space<hbm>>)
        tpu.yield
      }) : () -> ()
    } else {
    }
    return
  }
}

#map = affine_map<(d0, d1) -> (0, 0)>
#map1 = affine_map<(d0, d1) -> (0)>
module attributes {stable_mosaic.version = 14 : i64} {
  func.func @_sc_agg_body(%arg0: i32, %arg1: i32, %arg2: memref<10000x128xf32, #tpu.memory_space<hbm>>, %arg3: memref<163840xi32, #tpu.memory_space<hbm>>, %arg4: memref<163840xi32, #tpu.memory_space<hbm>>, %arg5: memref<128x128xf32, #tpu.memory_space<hbm>>, %arg6: memref<4096x128xf32, #tpu.memory_space<hbm>>, %arg7: memref<128xi32, #tpu.memory_space<vmem>>, %arg8: memref<128xi32, #tpu.memory_space<vmem>>, %arg9: memref<128xi32, #tpu.memory_space<vmem>>, %arg10: memref<128xi32, #tpu.memory_space<vmem>>, %arg11: memref<128xi32, #tpu.memory_space<vmem>>, %arg12: memref<128xi32, #tpu.memory_space<vmem>>, %arg13: memref<128xi32, #tpu.memory_space<vmem>>, %arg14: memref<128xi32, #tpu.memory_space<vmem>>, %arg15: memref<128x128xf32, #tpu.memory_space<vmem>>, %arg16: memref<128x128xf32, #tpu.memory_space<vmem>>, %arg17: memref<2048x128xf32, #tpu.memory_space<vmem_shared>>, %arg18: memref<!tpu.dma_semaphore, #tpu.memory_space<semaphore_mem>>, %arg19: memref<!tpu.dma_semaphore, #tpu.memory_space<semaphore_mem>>, %arg20: memref<!tpu.dma_semaphore, #tpu.memory_space<semaphore_mem>>, %arg21: memref<!tpu.dma_semaphore, #tpu.memory_space<semaphore_mem>>, %arg22: memref<!tpu.dma_semaphore, #tpu.memory_space<semaphore_mem>>, %arg23: memref<!tpu.dma_semaphore, #tpu.memory_space<semaphore_mem>>) attributes {dimension_semantics = [#tpu.dimension_semantics<core_parallel>, #tpu.dimension_semantics<subcore_parallel>], iteration_bounds = array<i64: 2, 16>, scalar_prefetch = 0 : i64, scratch_operands = 17 : i64, tpu.core_type = #tpu.core_type<sc_vector_subcore>, window_params = [{transform_indices = #map}, {transform_indices = #map1}, {transform_indices = #map1}, {transform_indices = #map}, {transform_indices = #map}]} {
    %eq3A = arith.constant 0 : i32
    %eq3A_0 = arith.cmpi eq, %arg0, %eq3A : i32
    %jit3A = arith.constant 64 : i32
    %jit3A_1 = arith.constant 16 : i32
    %select_n3A = arith.select %eq3A_0, %jit3A, %jit3A_1 : i32
    %mul3A = arith.constant 128 : i32
    %mul3A_2 = arith.muli %arg1, %mul3A : i32
    "tpu.region"() ({
      %run_scoped3A = tpu.sem_alloc : memref<!tpu.dma_semaphore, #tpu.memory_space<semaphore_mem>>
      %dma_start3A_51 = arith.constant 0 : i32
      %dma_start3A_52 = tpu.memref_slice %arg17[%mul3A_2, %dma_start3A_51] : memref<2048x128xf32, #tpu.memory_space<vmem_shared>> -> memref<128x128xf32, #tpu.memory_space<vmem_shared>>
      tpu.enqueue_dma source(%arg5 : memref<128x128xf32, #tpu.memory_space<hbm>>) target(%dma_start3A_52 : memref<128x128xf32, #tpu.memory_space<vmem_shared>>) target_semaphore(%run_scoped3A : memref<!tpu.dma_semaphore, #tpu.memory_space<semaphore_mem>>)
      %dma_wait3A_53 = arith.constant 0 : i32
      %dma_wait3A_54 = tpu.memref_slice %arg17[%mul3A_2, %dma_wait3A_53] : memref<2048x128xf32, #tpu.memory_space<vmem_shared>> -> memref<128x128xf32, #tpu.memory_space<vmem_shared>>
      tpu.wait_dma2 semaphore(%run_scoped3A : memref<!tpu.dma_semaphore, #tpu.memory_space<semaphore_mem>>) src(%arg5 : memref<128x128xf32, #tpu.memory_space<hbm>>) dst(%dma_wait3A_54 : memref<128x128xf32, #tpu.memory_space<vmem_shared>>)
      tpu.yield
    }) : () -> ()
    %barrier3A = arith.constant 0 : index
    tpu.barrier barrier_id(%barrier3A)
    %eq3A_3 = arith.constant 0 : i32
    %eq3A_4 = arith.cmpi eq, %arg0, %eq3A_3 : i32
    %mul3A_5 = arith.constant 64 : i32
    %mul3A_6 = arith.muli %arg1, %mul3A_5 : i32
    %mul3A_7 = arith.constant 16 : i32
    %mul3A_8 = arith.muli %arg1, %mul3A_7 : i32
    %add3A = arith.constant 1024 : i32
    %add3A_9 = arith.addi %add3A, %mul3A_8 : i32
    %select_n3A_10 = arith.select %eq3A_4, %mul3A_6, %add3A_9 : i32
    %mul3A_11 = arith.constant 128 : i32
    %mul3A_12 = arith.muli %select_n3A_10, %mul3A_11 : i32
    %add3A_13 = arith.constant 0 : i32
    %add3A_14 = arith.addi %mul3A_12, %add3A_13 : i32
    %dma_start3A = tpu.memref_slice %arg3[%add3A_14] : memref<163840xi32, #tpu.memory_space<hbm>> -> memref<128xi32, #tpu.memory_space<hbm>>
    %dma_start3A_15 = tpu.memref_slice %arg3[%add3A_14] : memref<163840xi32, #tpu.memory_space<hbm>> -> memref<128xi32, #tpu.memory_space<hbm>>
    tpu.enqueue_dma source(%dma_start3A_15 : memref<128xi32, #tpu.memory_space<hbm>>) target(%arg7 : memref<128xi32, #tpu.memory_space<vmem>>) target_semaphore(%arg18 : memref<!tpu.dma_semaphore, #tpu.memory_space<semaphore_mem>>)
    %dma_start3A_16 = tpu.memref_slice %arg4[%add3A_14] : memref<163840xi32, #tpu.memory_space<hbm>> -> memref<128xi32, #tpu.memory_space<hbm>>
    %dma_start3A_17 = tpu.memref_slice %arg4[%add3A_14] : memref<163840xi32, #tpu.memory_space<hbm>> -> memref<128xi32, #tpu.memory_space<hbm>>
    tpu.enqueue_dma source(%dma_start3A_17 : memref<128xi32, #tpu.memory_space<hbm>>) target(%arg11 : memref<128xi32, #tpu.memory_space<vmem>>) target_semaphore(%arg18 : memref<!tpu.dma_semaphore, #tpu.memory_space<semaphore_mem>>)
    %add3A_18 = arith.constant 0 : i32
    %add3A_19 = arith.addi %mul3A_12, %add3A_18 : i32
    %dma_wait3A = tpu.memref_slice %arg3[%add3A_19] : memref<163840xi32, #tpu.memory_space<hbm>> -> memref<128xi32, #tpu.memory_space<hbm>>
    %dma_wait3A_20 = tpu.memref_slice %arg3[%add3A_19] : memref<163840xi32, #tpu.memory_space<hbm>> -> memref<128xi32, #tpu.memory_space<hbm>>
    tpu.wait_dma2 semaphore(%arg18 : memref<!tpu.dma_semaphore, #tpu.memory_space<semaphore_mem>>) src(%dma_wait3A_20 : memref<128xi32, #tpu.memory_space<hbm>>) dst(%arg7 : memref<128xi32, #tpu.memory_space<vmem>>)
    %dma_wait3A_21 = tpu.memref_slice %arg4[%add3A_19] : memref<163840xi32, #tpu.memory_space<hbm>> -> memref<128xi32, #tpu.memory_space<hbm>>
    %dma_wait3A_22 = tpu.memref_slice %arg4[%add3A_19] : memref<163840xi32, #tpu.memory_space<hbm>> -> memref<128xi32, #tpu.memory_space<hbm>>
    tpu.wait_dma2 semaphore(%arg18 : memref<!tpu.dma_semaphore, #tpu.memory_space<semaphore_mem>>) src(%dma_wait3A_22 : memref<128xi32, #tpu.memory_space<hbm>>) dst(%arg11 : memref<128xi32, #tpu.memory_space<vmem>>)
    %dma_start3A_23 = arith.constant 0 : i32
    %dma_start3A_24 = arith.constant 0 : i32
    %dma_start3A_25 = tpu.memref_slice %arg2[%dma_start3A_23, %dma_start3A_24] : memref<10000x128xf32, #tpu.memory_space<hbm>> -> memref<10000x128xf32, #tpu.memory_space<hbm>>
    tpu.enqueue_indirect_dma source(%dma_start3A_25 : memref<10000x128xf32, #tpu.memory_space<hbm>>) target(%arg15 : memref<128x128xf32, #tpu.memory_space<vmem>>) offsets(%arg7 : memref<128xi32, #tpu.memory_space<vmem>>) semaphore(%arg22 : memref<!tpu.dma_semaphore, #tpu.memory_space<semaphore_mem>>)
    %add3A_26 = arith.constant 128 : i32
    %add3A_27 = arith.addi %mul3A_12, %add3A_26 : i32
    %dma_start3A_28 = tpu.memref_slice %arg3[%add3A_27] : memref<163840xi32, #tpu.memory_space<hbm>> -> memref<128xi32, #tpu.memory_space<hbm>>
    %dma_start3A_29 = tpu.memref_slice %arg3[%add3A_27] : memref<163840xi32, #tpu.memory_space<hbm>> -> memref<128xi32, #tpu.memory_space<hbm>>
    tpu.enqueue_dma source(%dma_start3A_29 : memref<128xi32, #tpu.memory_space<hbm>>) target(%arg8 : memref<128xi32, #tpu.memory_space<vmem>>) target_semaphore(%arg19 : memref<!tpu.dma_semaphore, #tpu.memory_space<semaphore_mem>>)
    %dma_start3A_30 = tpu.memref_slice %arg4[%add3A_27] : memref<163840xi32, #tpu.memory_space<hbm>> -> memref<128xi32, #tpu.memory_space<hbm>>
    %dma_start3A_31 = tpu.memref_slice %arg4[%add3A_27] : memref<163840xi32, #tpu.memory_space<hbm>> -> memref<128xi32, #tpu.memory_space<hbm>>
    tpu.enqueue_dma source(%dma_start3A_31 : memref<128xi32, #tpu.memory_space<hbm>>) target(%arg12 : memref<128xi32, #tpu.memory_space<vmem>>) target_semaphore(%arg19 : memref<!tpu.dma_semaphore, #tpu.memory_space<semaphore_mem>>)
    %sub3A = arith.constant 0 : i32
    %sub3A_32 = arith.subi %select_n3A, %sub3A : i32
    %sub3A_33 = arith.constant 4 : i32
    %sub3A_34 = arith.constant 1 : i32
    %sub3A_35 = arith.subi %sub3A_33, %sub3A_34 : i32
    %add3A_36 = arith.addi %sub3A_32, %sub3A_35 : i32
    %div3A = arith.constant 4 : i32
    %div3A_37 = arith.divsi %add3A_36, %div3A : i32
    %while3A = arith.constant 4 : i32
    %while3A_38 = arith.constant 0 : i32
    %while3A_39 = arith.constant 0 : i32
    %while3A_40 = arith.subi %div3A_37, %while3A_39 : i32
    %while3A_41 = arith.addi %while3A_39, %while3A_40 : i32
    %while3A_42 = arith.constant 1 : i32
    %while3A_43 = arith.divsi %while3A_40, %while3A_42 : i32
    %while3A_44 = arith.muli %while3A_43, %while3A_42 : i32
    %while3A_45 = arith.addi %while3A_39, %while3A_44 : i32
    %while3A_46 = arith.constant 1 : i32
    scf.for %while3A_51 = %while3A_39 to %while3A_45 step %while3A_46  : i32 {
      %mul3A_52 = arith.muli %while3A_51, %while3A : i32
      %add3A_53 = arith.addi %while3A_38, %mul3A_52 : i32
      %add3A_54 = arith.constant 0 : i32
      %add3A_55 = arith.addi %add3A_53, %add3A_54 : i32
      %add3A_56 = arith.constant 1 : i32
      %add3A_57 = arith.addi %add3A_55, %add3A_56 : i32
      %lt3A_58 = arith.cmpi slt, %add3A_57, %select_n3A : i32
      %convert_element_type3A_59 = arith.extui %lt3A_58 : i1 to i32
      %cond3A_60 = arith.constant 0 : i32
      %cond3A_61 = arith.cmpi ne, %convert_element_type3A_59, %cond3A_60 : i32
      scf.if %cond3A_61 {
        %add3A_122 = arith.constant 1 : i32
        %add3A_123 = arith.addi %add3A_55, %add3A_122 : i32
        %mul3A_124 = arith.constant 128 : i32
        %mul3A_125 = arith.muli %add3A_123, %mul3A_124 : i32
        %add3A_126 = arith.addi %mul3A_12, %mul3A_125 : i32
        %dma_wait3A_127 = tpu.memref_slice %arg3[%add3A_126] : memref<163840xi32, #tpu.memory_space<hbm>> -> memref<128xi32, #tpu.memory_space<hbm>>
        %dma_wait3A_128 = tpu.memref_slice %arg3[%add3A_126] : memref<163840xi32, #tpu.memory_space<hbm>> -> memref<128xi32, #tpu.memory_space<hbm>>
        tpu.wait_dma2 semaphore(%arg19 : memref<!tpu.dma_semaphore, #tpu.memory_space<semaphore_mem>>) src(%dma_wait3A_128 : memref<128xi32, #tpu.memory_space<hbm>>) dst(%arg8 : memref<128xi32, #tpu.memory_space<vmem>>)
        %dma_wait3A_129 = tpu.memref_slice %arg4[%add3A_126] : memref<163840xi32, #tpu.memory_space<hbm>> -> memref<128xi32, #tpu.memory_space<hbm>>
        %dma_wait3A_130 = tpu.memref_slice %arg4[%add3A_126] : memref<163840xi32, #tpu.memory_space<hbm>> -> memref<128xi32, #tpu.memory_space<hbm>>
        tpu.wait_dma2 semaphore(%arg19 : memref<!tpu.dma_semaphore, #tpu.memory_space<semaphore_mem>>) src(%dma_wait3A_130 : memref<128xi32, #tpu.memory_space<hbm>>) dst(%arg12 : memref<128xi32, #tpu.memory_space<vmem>>)
        %dma_start3A_131 = arith.constant 0 : i32
        %dma_start3A_132 = arith.constant 0 : i32
        %dma_start3A_133 = tpu.memref_slice %arg2[%dma_start3A_131, %dma_start3A_132] : memref<10000x128xf32, #tpu.memory_space<hbm>> -> memref<10000x128xf32, #tpu.memory_space<hbm>>
        tpu.enqueue_indirect_dma source(%dma_start3A_133 : memref<10000x128xf32, #tpu.memory_space<hbm>>) target(%arg16 : memref<128x128xf32, #tpu.memory_space<vmem>>) offsets(%arg8 : memref<128xi32, #tpu.memory_space<vmem>>) semaphore(%arg23 : memref<!tpu.dma_semaphore, #tpu.memory_space<semaphore_mem>>)
      } else {
      }
      %dma_wait3A_62 = arith.constant 0 : i32
      %dma_wait3A_63 = arith.constant 0 : i32
      %dma_wait3A_64 = tpu.memref_slice %arg2[%dma_wait3A_62, %dma_wait3A_63] : memref<10000x128xf32, #tpu.memory_space<hbm>> -> memref<10000x128xf32, #tpu.memory_space<hbm>>
      tpu.wait_indirect_dma semaphore(%arg22 : memref<!tpu.dma_semaphore, #tpu.memory_space<semaphore_mem>>) src(%dma_wait3A_64 : memref<10000x128xf32, #tpu.memory_space<hbm>>) dst(%arg15 : memref<128x128xf32, #tpu.memory_space<vmem>>)
      "tpu.region"() ({
        %run_scoped3A = tpu.sem_alloc : memref<!tpu.dma_semaphore, #tpu.memory_space<semaphore_mem>>
        %dma_start3A_122 = arith.constant 0 : i32
        %dma_start3A_123 = arith.constant 0 : i32
        %dma_start3A_124 = tpu.memref_slice %arg17[%dma_start3A_122, %dma_start3A_123] : memref<2048x128xf32, #tpu.memory_space<vmem_shared>> -> memref<2048x128xf32, #tpu.memory_space<vmem_shared>>
        tpu.enqueue_indirect_dma source(%arg15 : memref<128x128xf32, #tpu.memory_space<vmem>>) target(%dma_start3A_124 : memref<2048x128xf32, #tpu.memory_space<vmem_shared>>) offsets(%arg11 : memref<128xi32, #tpu.memory_space<vmem>>) semaphore(%run_scoped3A : memref<!tpu.dma_semaphore, #tpu.memory_space<semaphore_mem>>) {add = true}
        %dma_wait3A_125 = arith.constant 0 : i32
        %dma_wait3A_126 = arith.constant 0 : i32
        %dma_wait3A_127 = tpu.memref_slice %arg17[%dma_wait3A_125, %dma_wait3A_126] : memref<2048x128xf32, #tpu.memory_space<vmem_shared>> -> memref<2048x128xf32, #tpu.memory_space<vmem_shared>>
        tpu.wait_indirect_dma semaphore(%run_scoped3A : memref<!tpu.dma_semaphore, #tpu.memory_space<semaphore_mem>>) src(%arg15 : memref<128x128xf32, #tpu.memory_space<vmem>>) dst(%dma_wait3A_127 : memref<2048x128xf32, #tpu.memory_space<vmem_shared>>)
        tpu.yield
      }) : () -> ()
      %add3A_65 = arith.constant 2 : i32
      %add3A_66 = arith.addi %add3A_55, %add3A_65 : i32
      %lt3A_67 = arith.cmpi slt, %add3A_66, %select_n3A : i32
      %convert_element_type3A_68 = arith.extui %lt3A_67 : i1 to i32
      %cond3A_69 = arith.constant 0 : i32
      %cond3A_70 = arith.cmpi ne, %convert_element_type3A_68, %cond3A_69 : i32
      scf.if %cond3A_70 {
        %add3A_122 = arith.constant 2 : i32
        %add3A_123 = arith.addi %add3A_55, %add3A_122 : i32
        %mul3A_124 = arith.constant 128 : i32
        %mul3A_125 = arith.muli %add3A_123, %mul3A_124 : i32
        %add3A_126 = arith.addi %mul3A_12, %mul3A_125 : i32
        %dma_start3A_127 = tpu.memref_slice %arg3[%add3A_126] : memref<163840xi32, #tpu.memory_space<hbm>> -> memref<128xi32, #tpu.memory_space<hbm>>
        %dma_start3A_128 = tpu.memref_slice %arg3[%add3A_126] : memref<163840xi32, #tpu.memory_space<hbm>> -> memref<128xi32, #tpu.memory_space<hbm>>
        tpu.enqueue_dma source(%dma_start3A_128 : memref<128xi32, #tpu.memory_space<hbm>>) target(%arg9 : memref<128xi32, #tpu.memory_space<vmem>>) target_semaphore(%arg20 : memref<!tpu.dma_semaphore, #tpu.memory_space<semaphore_mem>>)
        %dma_start3A_129 = tpu.memref_slice %arg4[%add3A_126] : memref<163840xi32, #tpu.memory_space<hbm>> -> memref<128xi32, #tpu.memory_space<hbm>>
        %dma_start3A_130 = tpu.memref_slice %arg4[%add3A_126] : memref<163840xi32, #tpu.memory_space<hbm>> -> memref<128xi32, #tpu.memory_space<hbm>>
        tpu.enqueue_dma source(%dma_start3A_130 : memref<128xi32, #tpu.memory_space<hbm>>) target(%arg13 : memref<128xi32, #tpu.memory_space<vmem>>) target_semaphore(%arg20 : memref<!tpu.dma_semaphore, #tpu.memory_space<semaphore_mem>>)
      } else {
      }
      %add3A_71 = arith.constant 1 : i32
      %add3A_72 = arith.addi %add3A_53, %add3A_71 : i32
      %add3A_73 = arith.constant 1 : i32
      %add3A_74 = arith.addi %add3A_72, %add3A_73 : i32
      %lt3A_75 = arith.cmpi slt, %add3A_74, %select_n3A : i32
      %convert_element_type3A_76 = arith.extui %lt3A_75 : i1 to i32
      %cond3A_77 = arith.constant 0 : i32
      %cond3A_78 = arith.cmpi ne, %convert_element_type3A_76, %cond3A_77 : i32
      scf.if %cond3A_78 {
        %add3A_122 = arith.constant 1 : i32
        %add3A_123 = arith.addi %add3A_72, %add3A_122 : i32
        %mul3A_124 = arith.constant 128 : i32
        %mul3A_125 = arith.muli %add3A_123, %mul3A_124 : i32
        %add3A_126 = arith.addi %mul3A_12, %mul3A_125 : i32
        %dma_wait3A_127 = tpu.memref_slice %arg3[%add3A_126] : memref<163840xi32, #tpu.memory_space<hbm>> -> memref<128xi32, #tpu.memory_space<hbm>>
        %dma_wait3A_128 = tpu.memref_slice %arg3[%add3A_126] : memref<163840xi32, #tpu.memory_space<hbm>> -> memref<128xi32, #tpu.memory_space<hbm>>
        tpu.wait_dma2 semaphore(%arg20 : memref<!tpu.dma_semaphore, #tpu.memory_space<semaphore_mem>>) src(%dma_wait3A_128 : memref<128xi32, #tpu.memory_space<hbm>>) dst(%arg9 : memref<128xi32, #tpu.memory_space<vmem>>)
        %dma_wait3A_129 = tpu.memref_slice %arg4[%add3A_126] : memref<163840xi32, #tpu.memory_space<hbm>> -> memref<128xi32, #tpu.memory_space<hbm>>
        %dma_wait3A_130 = tpu.memref_slice %arg4[%add3A_126] : memref<163840xi32, #tpu.memory_space<hbm>> -> memref<128xi32, #tpu.memory_space<hbm>>
        tpu.wait_dma2 semaphore(%arg20 : memref<!tpu.dma_semaphore, #tpu.memory_space<semaphore_mem>>) src(%dma_wait3A_130 : memref<128xi32, #tpu.memory_space<hbm>>) dst(%arg13 : memref<128xi32, #tpu.memory_space<vmem>>)
        %dma_start3A_131 = arith.constant 0 : i32
        %dma_start3A_132 = arith.constant 0 : i32
        %dma_start3A_133 = tpu.memref_slice %arg2[%dma_start3A_131, %dma_start3A_132] : memref<10000x128xf32, #tpu.memory_space<hbm>> -> memref<10000x128xf32, #tpu.memory_space<hbm>>
        tpu.enqueue_indirect_dma source(%dma_start3A_133 : memref<10000x128xf32, #tpu.memory_space<hbm>>) target(%arg15 : memref<128x128xf32, #tpu.memory_space<vmem>>) offsets(%arg9 : memref<128xi32, #tpu.memory_space<vmem>>) semaphore(%arg22 : memref<!tpu.dma_semaphore, #tpu.memory_space<semaphore_mem>>)
      } else {
      }
      %dma_wait3A_79 = arith.constant 0 : i32
      %dma_wait3A_80 = arith.constant 0 : i32
      %dma_wait3A_81 = tpu.memref_slice %arg2[%dma_wait3A_79, %dma_wait3A_80] : memref<10000x128xf32, #tpu.memory_space<hbm>> -> memref<10000x128xf32, #tpu.memory_space<hbm>>
      tpu.wait_indirect_dma semaphore(%arg23 : memref<!tpu.dma_semaphore, #tpu.memory_space<semaphore_mem>>) src(%dma_wait3A_81 : memref<10000x128xf32, #tpu.memory_space<hbm>>) dst(%arg16 : memref<128x128xf32, #tpu.memory_space<vmem>>)
      "tpu.region"() ({
        %run_scoped3A = tpu.sem_alloc : memref<!tpu.dma_semaphore, #tpu.memory_space<semaphore_mem>>
        %dma_start3A_122 = arith.constant 0 : i32
        %dma_start3A_123 = arith.constant 0 : i32
        %dma_start3A_124 = tpu.memref_slice %arg17[%dma_start3A_122, %dma_start3A_123] : memref<2048x128xf32, #tpu.memory_space<vmem_shared>> -> memref<2048x128xf32, #tpu.memory_space<vmem_shared>>
        tpu.enqueue_indirect_dma source(%arg16 : memref<128x128xf32, #tpu.memory_space<vmem>>) target(%dma_start3A_124 : memref<2048x128xf32, #tpu.memory_space<vmem_shared>>) offsets(%arg12 : memref<128xi32, #tpu.memory_space<vmem>>) semaphore(%run_scoped3A : memref<!tpu.dma_semaphore, #tpu.memory_space<semaphore_mem>>) {add = true}
        %dma_wait3A_125 = arith.constant 0 : i32
        %dma_wait3A_126 = arith.constant 0 : i32
        %dma_wait3A_127 = tpu.memref_slice %arg17[%dma_wait3A_125, %dma_wait3A_126] : memref<2048x128xf32, #tpu.memory_space<vmem_shared>> -> memref<2048x128xf32, #tpu.memory_space<vmem_shared>>
        tpu.wait_indirect_dma semaphore(%run_scoped3A : memref<!tpu.dma_semaphore, #tpu.memory_space<semaphore_mem>>) src(%arg16 : memref<128x128xf32, #tpu.memory_space<vmem>>) dst(%dma_wait3A_127 : memref<2048x128xf32, #tpu.memory_space<vmem_shared>>)
        tpu.yield
      }) : () -> ()
      %add3A_82 = arith.constant 2 : i32
      %add3A_83 = arith.addi %add3A_72, %add3A_82 : i32
      %lt3A_84 = arith.cmpi slt, %add3A_83, %select_n3A : i32
      %convert_element_type3A_85 = arith.extui %lt3A_84 : i1 to i32
      %cond3A_86 = arith.constant 0 : i32
      %cond3A_87 = arith.cmpi ne, %convert_element_type3A_85, %cond3A_86 : i32
      scf.if %cond3A_87 {
        %add3A_122 = arith.constant 2 : i32
        %add3A_123 = arith.addi %add3A_72, %add3A_122 : i32
        %mul3A_124 = arith.constant 128 : i32
        %mul3A_125 = arith.muli %add3A_123, %mul3A_124 : i32
        %add3A_126 = arith.addi %mul3A_12, %mul3A_125 : i32
        %dma_start3A_127 = tpu.memref_slice %arg3[%add3A_126] : memref<163840xi32, #tpu.memory_space<hbm>> -> memref<128xi32, #tpu.memory_space<hbm>>
        %dma_start3A_128 = tpu.memref_slice %arg3[%add3A_126] : memref<163840xi32, #tpu.memory_space<hbm>> -> memref<128xi32, #tpu.memory_space<hbm>>
        tpu.enqueue_dma source(%dma_start3A_128 : memref<128xi32, #tpu.memory_space<hbm>>) target(%arg10 : memref<128xi32, #tpu.memory_space<vmem>>) target_semaphore(%arg21 : memref<!tpu.dma_semaphore, #tpu.memory_space<semaphore_mem>>)
        %dma_start3A_129 = tpu.memref_slice %arg4[%add3A_126] : memref<163840xi32, #tpu.memory_space<hbm>> -> memref<128xi32, #tpu.memory_space<hbm>>
        %dma_start3A_130 = tpu.memref_slice %arg4[%add3A_126] : memref<163840xi32, #tpu.memory_space<hbm>> -> memref<128xi32, #tpu.memory_space<hbm>>
        tpu.enqueue_dma source(%dma_start3A_130 : memref<128xi32, #tpu.memory_space<hbm>>) target(%arg14 : memref<128xi32, #tpu.memory_space<vmem>>) target_semaphore(%arg21 : memref<!tpu.dma_semaphore, #tpu.memory_space<semaphore_mem>>)
      } else {
      }
      %add3A_88 = arith.constant 2 : i32
      %add3A_89 = arith.addi %add3A_53, %add3A_88 : i32
      %add3A_90 = arith.constant 1 : i32
      %add3A_91 = arith.addi %add3A_89, %add3A_90 : i32
      %lt3A_92 = arith.cmpi slt, %add3A_91, %select_n3A : i32
      %convert_element_type3A_93 = arith.extui %lt3A_92 : i1 to i32
      %cond3A_94 = arith.constant 0 : i32
      %cond3A_95 = arith.cmpi ne, %convert_element_type3A_93, %cond3A_94 : i32
      scf.if %cond3A_95 {
        %add3A_122 = arith.constant 1 : i32
        %add3A_123 = arith.addi %add3A_89, %add3A_122 : i32
        %mul3A_124 = arith.constant 128 : i32
        %mul3A_125 = arith.muli %add3A_123, %mul3A_124 : i32
        %add3A_126 = arith.addi %mul3A_12, %mul3A_125 : i32
        %dma_wait3A_127 = tpu.memref_slice %arg3[%add3A_126] : memref<163840xi32, #tpu.memory_space<hbm>> -> memref<128xi32, #tpu.memory_space<hbm>>
        %dma_wait3A_128 = tpu.memref_slice %arg3[%add3A_126] : memref<163840xi32, #tpu.memory_space<hbm>> -> memref<128xi32, #tpu.memory_space<hbm>>
        tpu.wait_dma2 semaphore(%arg21 : memref<!tpu.dma_semaphore, #tpu.memory_space<semaphore_mem>>) src(%dma_wait3A_128 : memref<128xi32, #tpu.memory_space<hbm>>) dst(%arg10 : memref<128xi32, #tpu.memory_space<vmem>>)
        %dma_wait3A_129 = tpu.memref_slice %arg4[%add3A_126] : memref<163840xi32, #tpu.memory_space<hbm>> -> memref<128xi32, #tpu.memory_space<hbm>>
        %dma_wait3A_130 = tpu.memref_slice %arg4[%add3A_126] : memref<163840xi32, #tpu.memory_space<hbm>> -> memref<128xi32, #tpu.memory_space<hbm>>
        tpu.wait_dma2 semaphore(%arg21 : memref<!tpu.dma_semaphore, #tpu.memory_space<semaphore_mem>>) src(%dma_wait3A_130 : memref<128xi32, #tpu.memory_space<hbm>>) dst(%arg14 : memref<128xi32, #tpu.memory_space<vmem>>)
        %dma_start3A_131 = arith.constant 0 : i32
        %dma_start3A_132 = arith.constant 0 : i32
        %dma_start3A_133 = tpu.memref_slice %arg2[%dma_start3A_131, %dma_start3A_132] : memref<10000x128xf32, #tpu.memory_space<hbm>> -> memref<10000x128xf32, #tpu.memory_space<hbm>>
        tpu.enqueue_indirect_dma source(%dma_start3A_133 : memref<10000x128xf32, #tpu.memory_space<hbm>>) target(%arg16 : memref<128x128xf32, #tpu.memory_space<vmem>>) offsets(%arg10 : memref<128xi32, #tpu.memory_space<vmem>>) semaphore(%arg23 : memref<!tpu.dma_semaphore, #tpu.memory_space<semaphore_mem>>)
      } else {
      }
      %dma_wait3A_96 = arith.constant 0 : i32
      %dma_wait3A_97 = arith.constant 0 : i32
      %dma_wait3A_98 = tpu.memref_slice %arg2[%dma_wait3A_96, %dma_wait3A_97] : memref<10000x128xf32, #tpu.memory_space<hbm>> -> memref<10000x128xf32, #tpu.memory_space<hbm>>
      tpu.wait_indirect_dma semaphore(%arg22 : memref<!tpu.dma_semaphore, #tpu.memory_space<semaphore_mem>>) src(%dma_wait3A_98 : memref<10000x128xf32, #tpu.memory_space<hbm>>) dst(%arg15 : memref<128x128xf32, #tpu.memory_space<vmem>>)
      "tpu.region"() ({
        %run_scoped3A = tpu.sem_alloc : memref<!tpu.dma_semaphore, #tpu.memory_space<semaphore_mem>>
        %dma_start3A_122 = arith.constant 0 : i32
        %dma_start3A_123 = arith.constant 0 : i32
        %dma_start3A_124 = tpu.memref_slice %arg17[%dma_start3A_122, %dma_start3A_123] : memref<2048x128xf32, #tpu.memory_space<vmem_shared>> -> memref<2048x128xf32, #tpu.memory_space<vmem_shared>>
        tpu.enqueue_indirect_dma source(%arg15 : memref<128x128xf32, #tpu.memory_space<vmem>>) target(%dma_start3A_124 : memref<2048x128xf32, #tpu.memory_space<vmem_shared>>) offsets(%arg13 : memref<128xi32, #tpu.memory_space<vmem>>) semaphore(%run_scoped3A : memref<!tpu.dma_semaphore, #tpu.memory_space<semaphore_mem>>) {add = true}
        %dma_wait3A_125 = arith.constant 0 : i32
        %dma_wait3A_126 = arith.constant 0 : i32
        %dma_wait3A_127 = tpu.memref_slice %arg17[%dma_wait3A_125, %dma_wait3A_126] : memref<2048x128xf32, #tpu.memory_space<vmem_shared>> -> memref<2048x128xf32, #tpu.memory_space<vmem_shared>>
        tpu.wait_indirect_dma semaphore(%run_scoped3A : memref<!tpu.dma_semaphore, #tpu.memory_space<semaphore_mem>>) src(%arg15 : memref<128x128xf32, #tpu.memory_space<vmem>>) dst(%dma_wait3A_127 : memref<2048x128xf32, #tpu.memory_space<vmem_shared>>)
        tpu.yield
      }) : () -> ()
      %add3A_99 = arith.constant 2 : i32
      %add3A_100 = arith.addi %add3A_89, %add3A_99 : i32
      %lt3A_101 = arith.cmpi slt, %add3A_100, %select_n3A : i32
      %convert_element_type3A_102 = arith.extui %lt3A_101 : i1 to i32
      %cond3A_103 = arith.constant 0 : i32
      %cond3A_104 = arith.cmpi ne, %convert_element_type3A_102, %cond3A_103 : i32
      scf.if %cond3A_104 {
        %add3A_122 = arith.constant 2 : i32
        %add3A_123 = arith.addi %add3A_89, %add3A_122 : i32
        %mul3A_124 = arith.constant 128 : i32
        %mul3A_125 = arith.muli %add3A_123, %mul3A_124 : i32
        %add3A_126 = arith.addi %mul3A_12, %mul3A_125 : i32
        %dma_start3A_127 = tpu.memref_slice %arg3[%add3A_126] : memref<163840xi32, #tpu.memory_space<hbm>> -> memref<128xi32, #tpu.memory_space<hbm>>
        %dma_start3A_128 = tpu.memref_slice %arg3[%add3A_126] : memref<163840xi32, #tpu.memory_space<hbm>> -> memref<128xi32, #tpu.memory_space<hbm>>
        tpu.enqueue_dma source(%dma_start3A_128 : memref<128xi32, #tpu.memory_space<hbm>>) target(%arg7 : memref<128xi32, #tpu.memory_space<vmem>>) target_semaphore(%arg18 : memref<!tpu.dma_semaphore, #tpu.memory_space<semaphore_mem>>)
        %dma_start3A_129 = tpu.memref_slice %arg4[%add3A_126] : memref<163840xi32, #tpu.memory_space<hbm>> -> memref<128xi32, #tpu.memory_space<hbm>>
        %dma_start3A_130 = tpu.memref_slice %arg4[%add3A_126] : memref<163840xi32, #tpu.memory_space<hbm>> -> memref<128xi32, #tpu.memory_space<hbm>>
        tpu.enqueue_dma source(%dma_start3A_130 : memref<128xi32, #tpu.memory_space<hbm>>) target(%arg11 : memref<128xi32, #tpu.memory_space<vmem>>) target_semaphore(%arg18 : memref<!tpu.dma_semaphore, #tpu.memory_space<semaphore_mem>>)
      } else {
      }
      %add3A_105 = arith.constant 3 : i32
      %add3A_106 = arith.addi %add3A_53, %add3A_105 : i32
      %add3A_107 = arith.constant 1 : i32
      %add3A_108 = arith.addi %add3A_106, %add3A_107 : i32
      %lt3A_109 = arith.cmpi slt, %add3A_108, %select_n3A : i32
      %convert_element_type3A_110 = arith.extui %lt3A_109 : i1 to i32
      %cond3A_111 = arith.constant 0 : i32
      %cond3A_112 = arith.cmpi ne, %convert_element_type3A_110, %cond3A_111 : i32
      scf.if %cond3A_112 {
        %add3A_122 = arith.constant 1 : i32
        %add3A_123 = arith.addi %add3A_106, %add3A_122 : i32
        %mul3A_124 = arith.constant 128 : i32
        %mul3A_125 = arith.muli %add3A_123, %mul3A_124 : i32
        %add3A_126 = arith.addi %mul3A_12, %mul3A_125 : i32
        %dma_wait3A_127 = tpu.memref_slice %arg3[%add3A_126] : memref<163840xi32, #tpu.memory_space<hbm>> -> memref<128xi32, #tpu.memory_space<hbm>>
        %dma_wait3A_128 = tpu.memref_slice %arg3[%add3A_126] : memref<163840xi32, #tpu.memory_space<hbm>> -> memref<128xi32, #tpu.memory_space<hbm>>
        tpu.wait_dma2 semaphore(%arg18 : memref<!tpu.dma_semaphore, #tpu.memory_space<semaphore_mem>>) src(%dma_wait3A_128 : memref<128xi32, #tpu.memory_space<hbm>>) dst(%arg7 : memref<128xi32, #tpu.memory_space<vmem>>)
        %dma_wait3A_129 = tpu.memref_slice %arg4[%add3A_126] : memref<163840xi32, #tpu.memory_space<hbm>> -> memref<128xi32, #tpu.memory_space<hbm>>
        %dma_wait3A_130 = tpu.memref_slice %arg4[%add3A_126] : memref<163840xi32, #tpu.memory_space<hbm>> -> memref<128xi32, #tpu.memory_space<hbm>>
        tpu.wait_dma2 semaphore(%arg18 : memref<!tpu.dma_semaphore, #tpu.memory_space<semaphore_mem>>) src(%dma_wait3A_130 : memref<128xi32, #tpu.memory_space<hbm>>) dst(%arg11 : memref<128xi32, #tpu.memory_space<vmem>>)
        %dma_start3A_131 = arith.constant 0 : i32
        %dma_start3A_132 = arith.constant 0 : i32
        %dma_start3A_133 = tpu.memref_slice %arg2[%dma_start3A_131, %dma_start3A_132] : memref<10000x128xf32, #tpu.memory_space<hbm>> -> memref<10000x128xf32, #tpu.memory_space<hbm>>
        tpu.enqueue_indirect_dma source(%dma_start3A_133 : memref<10000x128xf32, #tpu.memory_space<hbm>>) target(%arg15 : memref<128x128xf32, #tpu.memory_space<vmem>>) offsets(%arg7 : memref<128xi32, #tpu.memory_space<vmem>>) semaphore(%arg22 : memref<!tpu.dma_semaphore, #tpu.memory_space<semaphore_mem>>)
      } else {
      }
      %dma_wait3A_113 = arith.constant 0 : i32
      %dma_wait3A_114 = arith.constant 0 : i32
      %dma_wait3A_115 = tpu.memref_slice %arg2[%dma_wait3A_113, %dma_wait3A_114] : memref<10000x128xf32, #tpu.memory_space<hbm>> -> memref<10000x128xf32, #tpu.memory_space<hbm>>
      tpu.wait_indirect_dma semaphore(%arg23 : memref<!tpu.dma_semaphore, #tpu.memory_space<semaphore_mem>>) src(%dma_wait3A_115 : memref<10000x128xf32, #tpu.memory_space<hbm>>) dst(%arg16 : memref<128x128xf32, #tpu.memory_space<vmem>>)
      "tpu.region"() ({
        %run_scoped3A = tpu.sem_alloc : memref<!tpu.dma_semaphore, #tpu.memory_space<semaphore_mem>>
        %dma_start3A_122 = arith.constant 0 : i32
        %dma_start3A_123 = arith.constant 0 : i32
        %dma_start3A_124 = tpu.memref_slice %arg17[%dma_start3A_122, %dma_start3A_123] : memref<2048x128xf32, #tpu.memory_space<vmem_shared>> -> memref<2048x128xf32, #tpu.memory_space<vmem_shared>>
        tpu.enqueue_indirect_dma source(%arg16 : memref<128x128xf32, #tpu.memory_space<vmem>>) target(%dma_start3A_124 : memref<2048x128xf32, #tpu.memory_space<vmem_shared>>) offsets(%arg14 : memref<128xi32, #tpu.memory_space<vmem>>) semaphore(%run_scoped3A : memref<!tpu.dma_semaphore, #tpu.memory_space<semaphore_mem>>) {add = true}
        %dma_wait3A_125 = arith.constant 0 : i32
        %dma_wait3A_126 = arith.constant 0 : i32
        %dma_wait3A_127 = tpu.memref_slice %arg17[%dma_wait3A_125, %dma_wait3A_126] : memref<2048x128xf32, #tpu.memory_space<vmem_shared>> -> memref<2048x128xf32, #tpu.memory_space<vmem_shared>>
        tpu.wait_indirect_dma semaphore(%run_scoped3A : memref<!tpu.dma_semaphore, #tpu.memory_space<semaphore_mem>>) src(%arg16 : memref<128x128xf32, #tpu.memory_space<vmem>>) dst(%dma_wait3A_127 : memref<2048x128xf32, #tpu.memory_space<vmem_shared>>)
        tpu.yield
      }) : () -> ()
      %add3A_116 = arith.constant 2 : i32
      %add3A_117 = arith.addi %add3A_106, %add3A_116 : i32
      %lt3A_118 = arith.cmpi slt, %add3A_117, %select_n3A : i32
      %convert_element_type3A_119 = arith.extui %lt3A_118 : i1 to i32
      %cond3A_120 = arith.constant 0 : i32
      %cond3A_121 = arith.cmpi ne, %convert_element_type3A_119, %cond3A_120 : i32
      scf.if %cond3A_121 {
        %add3A_122 = arith.constant 2 : i32
        %add3A_123 = arith.addi %add3A_106, %add3A_122 : i32
        %mul3A_124 = arith.constant 128 : i32
        %mul3A_125 = arith.muli %add3A_123, %mul3A_124 : i32
        %add3A_126 = arith.addi %mul3A_12, %mul3A_125 : i32
        %dma_start3A_127 = tpu.memref_slice %arg3[%add3A_126] : memref<163840xi32, #tpu.memory_space<hbm>> -> memref<128xi32, #tpu.memory_space<hbm>>
        %dma_start3A_128 = tpu.memref_slice %arg3[%add3A_126] : memref<163840xi32, #tpu.memory_space<hbm>> -> memref<128xi32, #tpu.memory_space<hbm>>
        tpu.enqueue_dma source(%dma_start3A_128 : memref<128xi32, #tpu.memory_space<hbm>>) target(%arg8 : memref<128xi32, #tpu.memory_space<vmem>>) target_semaphore(%arg19 : memref<!tpu.dma_semaphore, #tpu.memory_space<semaphore_mem>>)
        %dma_start3A_129 = tpu.memref_slice %arg4[%add3A_126] : memref<163840xi32, #tpu.memory_space<hbm>> -> memref<128xi32, #tpu.memory_space<hbm>>
        %dma_start3A_130 = tpu.memref_slice %arg4[%add3A_126] : memref<163840xi32, #tpu.memory_space<hbm>> -> memref<128xi32, #tpu.memory_space<hbm>>
        tpu.enqueue_dma source(%dma_start3A_130 : memref<128xi32, #tpu.memory_space<hbm>>) target(%arg12 : memref<128xi32, #tpu.memory_space<vmem>>) target_semaphore(%arg19 : memref<!tpu.dma_semaphore, #tpu.memory_space<semaphore_mem>>)
      } else {
      }
    }
    %while3A_47 = arith.constant 1 : i32
    scf.for %while3A_51 = %while3A_45 to %while3A_41 step %while3A_47  : i32 {
      %mul3A_52 = arith.muli %while3A_51, %while3A : i32
      %add3A_53 = arith.addi %while3A_38, %mul3A_52 : i32
      %add3A_54 = arith.constant 0 : i32
      %add3A_55 = arith.addi %add3A_53, %add3A_54 : i32
      %add3A_56 = arith.constant 1 : i32
      %add3A_57 = arith.addi %add3A_55, %add3A_56 : i32
      %lt3A_58 = arith.cmpi slt, %add3A_57, %select_n3A : i32
      %convert_element_type3A_59 = arith.extui %lt3A_58 : i1 to i32
      %cond3A_60 = arith.constant 0 : i32
      %cond3A_61 = arith.cmpi ne, %convert_element_type3A_59, %cond3A_60 : i32
      scf.if %cond3A_61 {
        %add3A_122 = arith.constant 1 : i32
        %add3A_123 = arith.addi %add3A_55, %add3A_122 : i32
        %mul3A_124 = arith.constant 128 : i32
        %mul3A_125 = arith.muli %add3A_123, %mul3A_124 : i32
        %add3A_126 = arith.addi %mul3A_12, %mul3A_125 : i32
        %dma_wait3A_127 = tpu.memref_slice %arg3[%add3A_126] : memref<163840xi32, #tpu.memory_space<hbm>> -> memref<128xi32, #tpu.memory_space<hbm>>
        %dma_wait3A_128 = tpu.memref_slice %arg3[%add3A_126] : memref<163840xi32, #tpu.memory_space<hbm>> -> memref<128xi32, #tpu.memory_space<hbm>>
        tpu.wait_dma2 semaphore(%arg19 : memref<!tpu.dma_semaphore, #tpu.memory_space<semaphore_mem>>) src(%dma_wait3A_128 : memref<128xi32, #tpu.memory_space<hbm>>) dst(%arg8 : memref<128xi32, #tpu.memory_space<vmem>>)
        %dma_wait3A_129 = tpu.memref_slice %arg4[%add3A_126] : memref<163840xi32, #tpu.memory_space<hbm>> -> memref<128xi32, #tpu.memory_space<hbm>>
        %dma_wait3A_130 = tpu.memref_slice %arg4[%add3A_126] : memref<163840xi32, #tpu.memory_space<hbm>> -> memref<128xi32, #tpu.memory_space<hbm>>
        tpu.wait_dma2 semaphore(%arg19 : memref<!tpu.dma_semaphore, #tpu.memory_space<semaphore_mem>>) src(%dma_wait3A_130 : memref<128xi32, #tpu.memory_space<hbm>>) dst(%arg12 : memref<128xi32, #tpu.memory_space<vmem>>)
        %dma_start3A_131 = arith.constant 0 : i32
        %dma_start3A_132 = arith.constant 0 : i32
        %dma_start3A_133 = tpu.memref_slice %arg2[%dma_start3A_131, %dma_start3A_132] : memref<10000x128xf32, #tpu.memory_space<hbm>> -> memref<10000x128xf32, #tpu.memory_space<hbm>>
        tpu.enqueue_indirect_dma source(%dma_start3A_133 : memref<10000x128xf32, #tpu.memory_space<hbm>>) target(%arg16 : memref<128x128xf32, #tpu.memory_space<vmem>>) offsets(%arg8 : memref<128xi32, #tpu.memory_space<vmem>>) semaphore(%arg23 : memref<!tpu.dma_semaphore, #tpu.memory_space<semaphore_mem>>)
      } else {
      }
      %dma_wait3A_62 = arith.constant 0 : i32
      %dma_wait3A_63 = arith.constant 0 : i32
      %dma_wait3A_64 = tpu.memref_slice %arg2[%dma_wait3A_62, %dma_wait3A_63] : memref<10000x128xf32, #tpu.memory_space<hbm>> -> memref<10000x128xf32, #tpu.memory_space<hbm>>
      tpu.wait_indirect_dma semaphore(%arg22 : memref<!tpu.dma_semaphore, #tpu.memory_space<semaphore_mem>>) src(%dma_wait3A_64 : memref<10000x128xf32, #tpu.memory_space<hbm>>) dst(%arg15 : memref<128x128xf32, #tpu.memory_space<vmem>>)
      "tpu.region"() ({
        %run_scoped3A = tpu.sem_alloc : memref<!tpu.dma_semaphore, #tpu.memory_space<semaphore_mem>>
        %dma_start3A_122 = arith.constant 0 : i32
        %dma_start3A_123 = arith.constant 0 : i32
        %dma_start3A_124 = tpu.memref_slice %arg17[%dma_start3A_122, %dma_start3A_123] : memref<2048x128xf32, #tpu.memory_space<vmem_shared>> -> memref<2048x128xf32, #tpu.memory_space<vmem_shared>>
        tpu.enqueue_indirect_dma source(%arg15 : memref<128x128xf32, #tpu.memory_space<vmem>>) target(%dma_start3A_124 : memref<2048x128xf32, #tpu.memory_space<vmem_shared>>) offsets(%arg11 : memref<128xi32, #tpu.memory_space<vmem>>) semaphore(%run_scoped3A : memref<!tpu.dma_semaphore, #tpu.memory_space<semaphore_mem>>) {add = true}
        %dma_wait3A_125 = arith.constant 0 : i32
        %dma_wait3A_126 = arith.constant 0 : i32
        %dma_wait3A_127 = tpu.memref_slice %arg17[%dma_wait3A_125, %dma_wait3A_126] : memref<2048x128xf32, #tpu.memory_space<vmem_shared>> -> memref<2048x128xf32, #tpu.memory_space<vmem_shared>>
        tpu.wait_indirect_dma semaphore(%run_scoped3A : memref<!tpu.dma_semaphore, #tpu.memory_space<semaphore_mem>>) src(%arg15 : memref<128x128xf32, #tpu.memory_space<vmem>>) dst(%dma_wait3A_127 : memref<2048x128xf32, #tpu.memory_space<vmem_shared>>)
        tpu.yield
      }) : () -> ()
      %add3A_65 = arith.constant 2 : i32
      %add3A_66 = arith.addi %add3A_55, %add3A_65 : i32
      %lt3A_67 = arith.cmpi slt, %add3A_66, %select_n3A : i32
      %convert_element_type3A_68 = arith.extui %lt3A_67 : i1 to i32
      %cond3A_69 = arith.constant 0 : i32
      %cond3A_70 = arith.cmpi ne, %convert_element_type3A_68, %cond3A_69 : i32
      scf.if %cond3A_70 {
        %add3A_122 = arith.constant 2 : i32
        %add3A_123 = arith.addi %add3A_55, %add3A_122 : i32
        %mul3A_124 = arith.constant 128 : i32
        %mul3A_125 = arith.muli %add3A_123, %mul3A_124 : i32
        %add3A_126 = arith.addi %mul3A_12, %mul3A_125 : i32
        %dma_start3A_127 = tpu.memref_slice %arg3[%add3A_126] : memref<163840xi32, #tpu.memory_space<hbm>> -> memref<128xi32, #tpu.memory_space<hbm>>
        %dma_start3A_128 = tpu.memref_slice %arg3[%add3A_126] : memref<163840xi32, #tpu.memory_space<hbm>> -> memref<128xi32, #tpu.memory_space<hbm>>
        tpu.enqueue_dma source(%dma_start3A_128 : memref<128xi32, #tpu.memory_space<hbm>>) target(%arg9 : memref<128xi32, #tpu.memory_space<vmem>>) target_semaphore(%arg20 : memref<!tpu.dma_semaphore, #tpu.memory_space<semaphore_mem>>)
        %dma_start3A_129 = tpu.memref_slice %arg4[%add3A_126] : memref<163840xi32, #tpu.memory_space<hbm>> -> memref<128xi32, #tpu.memory_space<hbm>>
        %dma_start3A_130 = tpu.memref_slice %arg4[%add3A_126] : memref<163840xi32, #tpu.memory_space<hbm>> -> memref<128xi32, #tpu.memory_space<hbm>>
        tpu.enqueue_dma source(%dma_start3A_130 : memref<128xi32, #tpu.memory_space<hbm>>) target(%arg13 : memref<128xi32, #tpu.memory_space<vmem>>) target_semaphore(%arg20 : memref<!tpu.dma_semaphore, #tpu.memory_space<semaphore_mem>>)
      } else {
      }
      %add3A_71 = arith.constant 1 : i32
      %add3A_72 = arith.addi %add3A_53, %add3A_71 : i32
      %add3A_73 = arith.constant 1 : i32
      %add3A_74 = arith.addi %add3A_72, %add3A_73 : i32
      %lt3A_75 = arith.cmpi slt, %add3A_74, %select_n3A : i32
      %convert_element_type3A_76 = arith.extui %lt3A_75 : i1 to i32
      %cond3A_77 = arith.constant 0 : i32
      %cond3A_78 = arith.cmpi ne, %convert_element_type3A_76, %cond3A_77 : i32
      scf.if %cond3A_78 {
        %add3A_122 = arith.constant 1 : i32
        %add3A_123 = arith.addi %add3A_72, %add3A_122 : i32
        %mul3A_124 = arith.constant 128 : i32
        %mul3A_125 = arith.muli %add3A_123, %mul3A_124 : i32
        %add3A_126 = arith.addi %mul3A_12, %mul3A_125 : i32
        %dma_wait3A_127 = tpu.memref_slice %arg3[%add3A_126] : memref<163840xi32, #tpu.memory_space<hbm>> -> memref<128xi32, #tpu.memory_space<hbm>>
        %dma_wait3A_128 = tpu.memref_slice %arg3[%add3A_126] : memref<163840xi32, #tpu.memory_space<hbm>> -> memref<128xi32, #tpu.memory_space<hbm>>
        tpu.wait_dma2 semaphore(%arg20 : memref<!tpu.dma_semaphore, #tpu.memory_space<semaphore_mem>>) src(%dma_wait3A_128 : memref<128xi32, #tpu.memory_space<hbm>>) dst(%arg9 : memref<128xi32, #tpu.memory_space<vmem>>)
        %dma_wait3A_129 = tpu.memref_slice %arg4[%add3A_126] : memref<163840xi32, #tpu.memory_space<hbm>> -> memref<128xi32, #tpu.memory_space<hbm>>
        %dma_wait3A_130 = tpu.memref_slice %arg4[%add3A_126] : memref<163840xi32, #tpu.memory_space<hbm>> -> memref<128xi32, #tpu.memory_space<hbm>>
        tpu.wait_dma2 semaphore(%arg20 : memref<!tpu.dma_semaphore, #tpu.memory_space<semaphore_mem>>) src(%dma_wait3A_130 : memref<128xi32, #tpu.memory_space<hbm>>) dst(%arg13 : memref<128xi32, #tpu.memory_space<vmem>>)
        %dma_start3A_131 = arith.constant 0 : i32
        %dma_start3A_132 = arith.constant 0 : i32
        %dma_start3A_133 = tpu.memref_slice %arg2[%dma_start3A_131, %dma_start3A_132] : memref<10000x128xf32, #tpu.memory_space<hbm>> -> memref<10000x128xf32, #tpu.memory_space<hbm>>
        tpu.enqueue_indirect_dma source(%dma_start3A_133 : memref<10000x128xf32, #tpu.memory_space<hbm>>) target(%arg15 : memref<128x128xf32, #tpu.memory_space<vmem>>) offsets(%arg9 : memref<128xi32, #tpu.memory_space<vmem>>) semaphore(%arg22 : memref<!tpu.dma_semaphore, #tpu.memory_space<semaphore_mem>>)
      } else {
      }
      %dma_wait3A_79 = arith.constant 0 : i32
      %dma_wait3A_80 = arith.constant 0 : i32
      %dma_wait3A_81 = tpu.memref_slice %arg2[%dma_wait3A_79, %dma_wait3A_80] : memref<10000x128xf32, #tpu.memory_space<hbm>> -> memref<10000x128xf32, #tpu.memory_space<hbm>>
      tpu.wait_indirect_dma semaphore(%arg23 : memref<!tpu.dma_semaphore, #tpu.memory_space<semaphore_mem>>) src(%dma_wait3A_81 : memref<10000x128xf32, #tpu.memory_space<hbm>>) dst(%arg16 : memref<128x128xf32, #tpu.memory_space<vmem>>)
      "tpu.region"() ({
        %run_scoped3A = tpu.sem_alloc : memref<!tpu.dma_semaphore, #tpu.memory_space<semaphore_mem>>
        %dma_start3A_122 = arith.constant 0 : i32
        %dma_start3A_123 = arith.constant 0 : i32
        %dma_start3A_124 = tpu.memref_slice %arg17[%dma_start3A_122, %dma_start3A_123] : memref<2048x128xf32, #tpu.memory_space<vmem_shared>> -> memref<2048x128xf32, #tpu.memory_space<vmem_shared>>
        tpu.enqueue_indirect_dma source(%arg16 : memref<128x128xf32, #tpu.memory_space<vmem>>) target(%dma_start3A_124 : memref<2048x128xf32, #tpu.memory_space<vmem_shared>>) offsets(%arg12 : memref<128xi32, #tpu.memory_space<vmem>>) semaphore(%run_scoped3A : memref<!tpu.dma_semaphore, #tpu.memory_space<semaphore_mem>>) {add = true}
        %dma_wait3A_125 = arith.constant 0 : i32
        %dma_wait3A_126 = arith.constant 0 : i32
        %dma_wait3A_127 = tpu.memref_slice %arg17[%dma_wait3A_125, %dma_wait3A_126] : memref<2048x128xf32, #tpu.memory_space<vmem_shared>> -> memref<2048x128xf32, #tpu.memory_space<vmem_shared>>
        tpu.wait_indirect_dma semaphore(%run_scoped3A : memref<!tpu.dma_semaphore, #tpu.memory_space<semaphore_mem>>) src(%arg16 : memref<128x128xf32, #tpu.memory_space<vmem>>) dst(%dma_wait3A_127 : memref<2048x128xf32, #tpu.memory_space<vmem_shared>>)
        tpu.yield
      }) : () -> ()
      %add3A_82 = arith.constant 2 : i32
      %add3A_83 = arith.addi %add3A_72, %add3A_82 : i32
      %lt3A_84 = arith.cmpi slt, %add3A_83, %select_n3A : i32
      %convert_element_type3A_85 = arith.extui %lt3A_84 : i1 to i32
      %cond3A_86 = arith.constant 0 : i32
      %cond3A_87 = arith.cmpi ne, %convert_element_type3A_85, %cond3A_86 : i32
      scf.if %cond3A_87 {
        %add3A_122 = arith.constant 2 : i32
        %add3A_123 = arith.addi %add3A_72, %add3A_122 : i32
        %mul3A_124 = arith.constant 128 : i32
        %mul3A_125 = arith.muli %add3A_123, %mul3A_124 : i32
        %add3A_126 = arith.addi %mul3A_12, %mul3A_125 : i32
        %dma_start3A_127 = tpu.memref_slice %arg3[%add3A_126] : memref<163840xi32, #tpu.memory_space<hbm>> -> memref<128xi32, #tpu.memory_space<hbm>>
        %dma_start3A_128 = tpu.memref_slice %arg3[%add3A_126] : memref<163840xi32, #tpu.memory_space<hbm>> -> memref<128xi32, #tpu.memory_space<hbm>>
        tpu.enqueue_dma source(%dma_start3A_128 : memref<128xi32, #tpu.memory_space<hbm>>) target(%arg10 : memref<128xi32, #tpu.memory_space<vmem>>) target_semaphore(%arg21 : memref<!tpu.dma_semaphore, #tpu.memory_space<semaphore_mem>>)
        %dma_start3A_129 = tpu.memref_slice %arg4[%add3A_126] : memref<163840xi32, #tpu.memory_space<hbm>> -> memref<128xi32, #tpu.memory_space<hbm>>
        %dma_start3A_130 = tpu.memref_slice %arg4[%add3A_126] : memref<163840xi32, #tpu.memory_space<hbm>> -> memref<128xi32, #tpu.memory_space<hbm>>
        tpu.enqueue_dma source(%dma_start3A_130 : memref<128xi32, #tpu.memory_space<hbm>>) target(%arg14 : memref<128xi32, #tpu.memory_space<vmem>>) target_semaphore(%arg21 : memref<!tpu.dma_semaphore, #tpu.memory_space<semaphore_mem>>)
      } else {
      }
      %add3A_88 = arith.constant 2 : i32
      %add3A_89 = arith.addi %add3A_53, %add3A_88 : i32
      %add3A_90 = arith.constant 1 : i32
      %add3A_91 = arith.addi %add3A_89, %add3A_90 : i32
      %lt3A_92 = arith.cmpi slt, %add3A_91, %select_n3A : i32
      %convert_element_type3A_93 = arith.extui %lt3A_92 : i1 to i32
      %cond3A_94 = arith.constant 0 : i32
      %cond3A_95 = arith.cmpi ne, %convert_element_type3A_93, %cond3A_94 : i32
      scf.if %cond3A_95 {
        %add3A_122 = arith.constant 1 : i32
        %add3A_123 = arith.addi %add3A_89, %add3A_122 : i32
        %mul3A_124 = arith.constant 128 : i32
        %mul3A_125 = arith.muli %add3A_123, %mul3A_124 : i32
        %add3A_126 = arith.addi %mul3A_12, %mul3A_125 : i32
        %dma_wait3A_127 = tpu.memref_slice %arg3[%add3A_126] : memref<163840xi32, #tpu.memory_space<hbm>> -> memref<128xi32, #tpu.memory_space<hbm>>
        %dma_wait3A_128 = tpu.memref_slice %arg3[%add3A_126] : memref<163840xi32, #tpu.memory_space<hbm>> -> memref<128xi32, #tpu.memory_space<hbm>>
        tpu.wait_dma2 semaphore(%arg21 : memref<!tpu.dma_semaphore, #tpu.memory_space<semaphore_mem>>) src(%dma_wait3A_128 : memref<128xi32, #tpu.memory_space<hbm>>) dst(%arg10 : memref<128xi32, #tpu.memory_space<vmem>>)
        %dma_wait3A_129 = tpu.memref_slice %arg4[%add3A_126] : memref<163840xi32, #tpu.memory_space<hbm>> -> memref<128xi32, #tpu.memory_space<hbm>>
        %dma_wait3A_130 = tpu.memref_slice %arg4[%add3A_126] : memref<163840xi32, #tpu.memory_space<hbm>> -> memref<128xi32, #tpu.memory_space<hbm>>
        tpu.wait_dma2 semaphore(%arg21 : memref<!tpu.dma_semaphore, #tpu.memory_space<semaphore_mem>>) src(%dma_wait3A_130 : memref<128xi32, #tpu.memory_space<hbm>>) dst(%arg14 : memref<128xi32, #tpu.memory_space<vmem>>)
        %dma_start3A_131 = arith.constant 0 : i32
        %dma_start3A_132 = arith.constant 0 : i32
        %dma_start3A_133 = tpu.memref_slice %arg2[%dma_start3A_131, %dma_start3A_132] : memref<10000x128xf32, #tpu.memory_space<hbm>> -> memref<10000x128xf32, #tpu.memory_space<hbm>>
        tpu.enqueue_indirect_dma source(%dma_start3A_133 : memref<10000x128xf32, #tpu.memory_space<hbm>>) target(%arg16 : memref<128x128xf32, #tpu.memory_space<vmem>>) offsets(%arg10 : memref<128xi32, #tpu.memory_space<vmem>>) semaphore(%arg23 : memref<!tpu.dma_semaphore, #tpu.memory_space<semaphore_mem>>)
      } else {
      }
      %dma_wait3A_96 = arith.constant 0 : i32
      %dma_wait3A_97 = arith.constant 0 : i32
      %dma_wait3A_98 = tpu.memref_slice %arg2[%dma_wait3A_96, %dma_wait3A_97] : memref<10000x128xf32, #tpu.memory_space<hbm>> -> memref<10000x128xf32, #tpu.memory_space<hbm>>
      tpu.wait_indirect_dma semaphore(%arg22 : memref<!tpu.dma_semaphore, #tpu.memory_space<semaphore_mem>>) src(%dma_wait3A_98 : memref<10000x128xf32, #tpu.memory_space<hbm>>) dst(%arg15 : memref<128x128xf32, #tpu.memory_space<vmem>>)
      "tpu.region"() ({
        %run_scoped3A = tpu.sem_alloc : memref<!tpu.dma_semaphore, #tpu.memory_space<semaphore_mem>>
        %dma_start3A_122 = arith.constant 0 : i32
        %dma_start3A_123 = arith.constant 0 : i32
        %dma_start3A_124 = tpu.memref_slice %arg17[%dma_start3A_122, %dma_start3A_123] : memref<2048x128xf32, #tpu.memory_space<vmem_shared>> -> memref<2048x128xf32, #tpu.memory_space<vmem_shared>>
        tpu.enqueue_indirect_dma source(%arg15 : memref<128x128xf32, #tpu.memory_space<vmem>>) target(%dma_start3A_124 : memref<2048x128xf32, #tpu.memory_space<vmem_shared>>) offsets(%arg13 : memref<128xi32, #tpu.memory_space<vmem>>) semaphore(%run_scoped3A : memref<!tpu.dma_semaphore, #tpu.memory_space<semaphore_mem>>) {add = true}
        %dma_wait3A_125 = arith.constant 0 : i32
        %dma_wait3A_126 = arith.constant 0 : i32
        %dma_wait3A_127 = tpu.memref_slice %arg17[%dma_wait3A_125, %dma_wait3A_126] : memref<2048x128xf32, #tpu.memory_space<vmem_shared>> -> memref<2048x128xf32, #tpu.memory_space<vmem_shared>>
        tpu.wait_indirect_dma semaphore(%run_scoped3A : memref<!tpu.dma_semaphore, #tpu.memory_space<semaphore_mem>>) src(%arg15 : memref<128x128xf32, #tpu.memory_space<vmem>>) dst(%dma_wait3A_127 : memref<2048x128xf32, #tpu.memory_space<vmem_shared>>)
        tpu.yield
      }) : () -> ()
      %add3A_99 = arith.constant 2 : i32
      %add3A_100 = arith.addi %add3A_89, %add3A_99 : i32
      %lt3A_101 = arith.cmpi slt, %add3A_100, %select_n3A : i32
      %convert_element_type3A_102 = arith.extui %lt3A_101 : i1 to i32
      %cond3A_103 = arith.constant 0 : i32
      %cond3A_104 = arith.cmpi ne, %convert_element_type3A_102, %cond3A_103 : i32
      scf.if %cond3A_104 {
        %add3A_122 = arith.constant 2 : i32
        %add3A_123 = arith.addi %add3A_89, %add3A_122 : i32
        %mul3A_124 = arith.constant 128 : i32
        %mul3A_125 = arith.muli %add3A_123, %mul3A_124 : i32
        %add3A_126 = arith.addi %mul3A_12, %mul3A_125 : i32
        %dma_start3A_127 = tpu.memref_slice %arg3[%add3A_126] : memref<163840xi32, #tpu.memory_space<hbm>> -> memref<128xi32, #tpu.memory_space<hbm>>
        %dma_start3A_128 = tpu.memref_slice %arg3[%add3A_126] : memref<163840xi32, #tpu.memory_space<hbm>> -> memref<128xi32, #tpu.memory_space<hbm>>
        tpu.enqueue_dma source(%dma_start3A_128 : memref<128xi32, #tpu.memory_space<hbm>>) target(%arg7 : memref<128xi32, #tpu.memory_space<vmem>>) target_semaphore(%arg18 : memref<!tpu.dma_semaphore, #tpu.memory_space<semaphore_mem>>)
        %dma_start3A_129 = tpu.memref_slice %arg4[%add3A_126] : memref<163840xi32, #tpu.memory_space<hbm>> -> memref<128xi32, #tpu.memory_space<hbm>>
        %dma_start3A_130 = tpu.memref_slice %arg4[%add3A_126] : memref<163840xi32, #tpu.memory_space<hbm>> -> memref<128xi32, #tpu.memory_space<hbm>>
        tpu.enqueue_dma source(%dma_start3A_130 : memref<128xi32, #tpu.memory_space<hbm>>) target(%arg11 : memref<128xi32, #tpu.memory_space<vmem>>) target_semaphore(%arg18 : memref<!tpu.dma_semaphore, #tpu.memory_space<semaphore_mem>>)
      } else {
      }
      %add3A_105 = arith.constant 3 : i32
      %add3A_106 = arith.addi %add3A_53, %add3A_105 : i32
      %add3A_107 = arith.constant 1 : i32
      %add3A_108 = arith.addi %add3A_106, %add3A_107 : i32
      %lt3A_109 = arith.cmpi slt, %add3A_108, %select_n3A : i32
      %convert_element_type3A_110 = arith.extui %lt3A_109 : i1 to i32
      %cond3A_111 = arith.constant 0 : i32
      %cond3A_112 = arith.cmpi ne, %convert_element_type3A_110, %cond3A_111 : i32
      scf.if %cond3A_112 {
        %add3A_122 = arith.constant 1 : i32
        %add3A_123 = arith.addi %add3A_106, %add3A_122 : i32
        %mul3A_124 = arith.constant 128 : i32
        %mul3A_125 = arith.muli %add3A_123, %mul3A_124 : i32
        %add3A_126 = arith.addi %mul3A_12, %mul3A_125 : i32
        %dma_wait3A_127 = tpu.memref_slice %arg3[%add3A_126] : memref<163840xi32, #tpu.memory_space<hbm>> -> memref<128xi32, #tpu.memory_space<hbm>>
        %dma_wait3A_128 = tpu.memref_slice %arg3[%add3A_126] : memref<163840xi32, #tpu.memory_space<hbm>> -> memref<128xi32, #tpu.memory_space<hbm>>
        tpu.wait_dma2 semaphore(%arg18 : memref<!tpu.dma_semaphore, #tpu.memory_space<semaphore_mem>>) src(%dma_wait3A_128 : memref<128xi32, #tpu.memory_space<hbm>>) dst(%arg7 : memref<128xi32, #tpu.memory_space<vmem>>)
        %dma_wait3A_129 = tpu.memref_slice %arg4[%add3A_126] : memref<163840xi32, #tpu.memory_space<hbm>> -> memref<128xi32, #tpu.memory_space<hbm>>
        %dma_wait3A_130 = tpu.memref_slice %arg4[%add3A_126] : memref<163840xi32, #tpu.memory_space<hbm>> -> memref<128xi32, #tpu.memory_space<hbm>>
        tpu.wait_dma2 semaphore(%arg18 : memref<!tpu.dma_semaphore, #tpu.memory_space<semaphore_mem>>) src(%dma_wait3A_130 : memref<128xi32, #tpu.memory_space<hbm>>) dst(%arg11 : memref<128xi32, #tpu.memory_space<vmem>>)
        %dma_start3A_131 = arith.constant 0 : i32
        %dma_start3A_132 = arith.constant 0 : i32
        %dma_start3A_133 = tpu.memref_slice %arg2[%dma_start3A_131, %dma_start3A_132] : memref<10000x128xf32, #tpu.memory_space<hbm>> -> memref<10000x128xf32, #tpu.memory_space<hbm>>
        tpu.enqueue_indirect_dma source(%dma_start3A_133 : memref<10000x128xf32, #tpu.memory_space<hbm>>) target(%arg15 : memref<128x128xf32, #tpu.memory_space<vmem>>) offsets(%arg7 : memref<128xi32, #tpu.memory_space<vmem>>) semaphore(%arg22 : memref<!tpu.dma_semaphore, #tpu.memory_space<semaphore_mem>>)
      } else {
      }
      %dma_wait3A_113 = arith.constant 0 : i32
      %dma_wait3A_114 = arith.constant 0 : i32
      %dma_wait3A_115 = tpu.memref_slice %arg2[%dma_wait3A_113, %dma_wait3A_114] : memref<10000x128xf32, #tpu.memory_space<hbm>> -> memref<10000x128xf32, #tpu.memory_space<hbm>>
      tpu.wait_indirect_dma semaphore(%arg23 : memref<!tpu.dma_semaphore, #tpu.memory_space<semaphore_mem>>) src(%dma_wait3A_115 : memref<10000x128xf32, #tpu.memory_space<hbm>>) dst(%arg16 : memref<128x128xf32, #tpu.memory_space<vmem>>)
      "tpu.region"() ({
        %run_scoped3A = tpu.sem_alloc : memref<!tpu.dma_semaphore, #tpu.memory_space<semaphore_mem>>
        %dma_start3A_122 = arith.constant 0 : i32
        %dma_start3A_123 = arith.constant 0 : i32
        %dma_start3A_124 = tpu.memref_slice %arg17[%dma_start3A_122, %dma_start3A_123] : memref<2048x128xf32, #tpu.memory_space<vmem_shared>> -> memref<2048x128xf32, #tpu.memory_space<vmem_shared>>
        tpu.enqueue_indirect_dma source(%arg16 : memref<128x128xf32, #tpu.memory_space<vmem>>) target(%dma_start3A_124 : memref<2048x128xf32, #tpu.memory_space<vmem_shared>>) offsets(%arg14 : memref<128xi32, #tpu.memory_space<vmem>>) semaphore(%run_scoped3A : memref<!tpu.dma_semaphore, #tpu.memory_space<semaphore_mem>>) {add = true}
        %dma_wait3A_125 = arith.constant 0 : i32
        %dma_wait3A_126 = arith.constant 0 : i32
        %dma_wait3A_127 = tpu.memref_slice %arg17[%dma_wait3A_125, %dma_wait3A_126] : memref<2048x128xf32, #tpu.memory_space<vmem_shared>> -> memref<2048x128xf32, #tpu.memory_space<vmem_shared>>
        tpu.wait_indirect_dma semaphore(%run_scoped3A : memref<!tpu.dma_semaphore, #tpu.memory_space<semaphore_mem>>) src(%arg16 : memref<128x128xf32, #tpu.memory_space<vmem>>) dst(%dma_wait3A_127 : memref<2048x128xf32, #tpu.memory_space<vmem_shared>>)
        tpu.yield
      }) : () -> ()
      %add3A_116 = arith.constant 2 : i32
      %add3A_117 = arith.addi %add3A_106, %add3A_116 : i32
      %lt3A_118 = arith.cmpi slt, %add3A_117, %select_n3A : i32
      %convert_element_type3A_119 = arith.extui %lt3A_118 : i1 to i32
      %cond3A_120 = arith.constant 0 : i32
      %cond3A_121 = arith.cmpi ne, %convert_element_type3A_119, %cond3A_120 : i32
      scf.if %cond3A_121 {
        %add3A_122 = arith.constant 2 : i32
        %add3A_123 = arith.addi %add3A_106, %add3A_122 : i32
        %mul3A_124 = arith.constant 128 : i32
        %mul3A_125 = arith.muli %add3A_123, %mul3A_124 : i32
        %add3A_126 = arith.addi %mul3A_12, %mul3A_125 : i32
        %dma_start3A_127 = tpu.memref_slice %arg3[%add3A_126] : memref<163840xi32, #tpu.memory_space<hbm>> -> memref<128xi32, #tpu.memory_space<hbm>>
        %dma_start3A_128 = tpu.memref_slice %arg3[%add3A_126] : memref<163840xi32, #tpu.memory_space<hbm>> -> memref<128xi32, #tpu.memory_space<hbm>>
        tpu.enqueue_dma source(%dma_start3A_128 : memref<128xi32, #tpu.memory_space<hbm>>) target(%arg8 : memref<128xi32, #tpu.memory_space<vmem>>) target_semaphore(%arg19 : memref<!tpu.dma_semaphore, #tpu.memory_space<semaphore_mem>>)
        %dma_start3A_129 = tpu.memref_slice %arg4[%add3A_126] : memref<163840xi32, #tpu.memory_space<hbm>> -> memref<128xi32, #tpu.memory_space<hbm>>
        %dma_start3A_130 = tpu.memref_slice %arg4[%add3A_126] : memref<163840xi32, #tpu.memory_space<hbm>> -> memref<128xi32, #tpu.memory_space<hbm>>
        tpu.enqueue_dma source(%dma_start3A_130 : memref<128xi32, #tpu.memory_space<hbm>>) target(%arg12 : memref<128xi32, #tpu.memory_space<vmem>>) target_semaphore(%arg19 : memref<!tpu.dma_semaphore, #tpu.memory_space<semaphore_mem>>)
      } else {
      }
    }
    %barrier3A_48 = arith.constant 0 : index
    tpu.barrier barrier_id(%barrier3A_48)
    %lt3A = arith.constant 16 : i32
    %lt3A_49 = arith.cmpi slt, %arg1, %lt3A : i32
    %convert_element_type3A = arith.extui %lt3A_49 : i1 to i32
    %cond3A = arith.constant 0 : i32
    %cond3A_50 = arith.cmpi ne, %convert_element_type3A, %cond3A : i32
    scf.if %cond3A_50 {
      %mul3A_51 = arith.constant 128 : i32
      %mul3A_52 = arith.muli %arg1, %mul3A_51 : i32
      %mul3A_53 = arith.constant 2048 : i32
      %mul3A_54 = arith.muli %arg0, %mul3A_53 : i32
      %mul3A_55 = arith.constant 128 : i32
      %mul3A_56 = arith.muli %arg1, %mul3A_55 : i32
      %add3A_57 = arith.addi %mul3A_54, %mul3A_56 : i32
      "tpu.region"() ({
        %run_scoped3A = tpu.sem_alloc : memref<!tpu.dma_semaphore, #tpu.memory_space<semaphore_mem>>
        %dma_start3A_58 = arith.constant 0 : i32
        %dma_start3A_59 = tpu.memref_slice %arg6[%add3A_57, %dma_start3A_58] : memref<4096x128xf32, #tpu.memory_space<hbm>> -> memref<128x128xf32, #tpu.memory_space<hbm>>
        %dma_start3A_60 = arith.constant 0 : i32
        %dma_start3A_61 = tpu.memref_slice %arg17[%mul3A_52, %dma_start3A_60] : memref<2048x128xf32, #tpu.memory_space<vmem_shared>> -> memref<128x128xf32, #tpu.memory_space<vmem_shared>>
        tpu.enqueue_dma source(%dma_start3A_61 : memref<128x128xf32, #tpu.memory_space<vmem_shared>>) target(%dma_start3A_59 : memref<128x128xf32, #tpu.memory_space<hbm>>) target_semaphore(%run_scoped3A : memref<!tpu.dma_semaphore, #tpu.memory_space<semaphore_mem>>)
        %dma_wait3A_62 = arith.constant 0 : i32
        %dma_wait3A_63 = tpu.memref_slice %arg6[%add3A_57, %dma_wait3A_62] : memref<4096x128xf32, #tpu.memory_space<hbm>> -> memref<128x128xf32, #tpu.memory_space<hbm>>
        %dma_wait3A_64 = arith.constant 0 : i32
        %dma_wait3A_65 = tpu.memref_slice %arg17[%mul3A_52, %dma_wait3A_64] : memref<2048x128xf32, #tpu.memory_space<vmem_shared>> -> memref<128x128xf32, #tpu.memory_space<vmem_shared>>
        tpu.wait_dma2 semaphore(%run_scoped3A : memref<!tpu.dma_semaphore, #tpu.memory_space<semaphore_mem>>) src(%dma_wait3A_65 : memref<128x128xf32, #tpu.memory_space<vmem_shared>>) dst(%dma_wait3A_63 : memref<128x128xf32, #tpu.memory_space<hbm>>)
        tpu.yield
      }) : () -> ()
    } else {
    }
    return
  }
}

module attributes {stable_mosaic.version = 14 : i64} {
  func.func @_mm_body(%arg0: i32, %arg1: memref<1000x128xf32, #tpu.memory_space<vmem>>, %arg2: memref<128x128xf32, #tpu.memory_space<vmem>>, %arg3: memref<1000x128xf32, #tpu.memory_space<vmem>>) attributes {dimension_semantics = [#tpu.dimension_semantics<arbitrary>], iteration_bounds = array<i64: 10>, scalar_prefetch = 0 : i64, scratch_operands = 0 : i64, tpu.core_type = #tpu.core_type<tc>, window_params = [{transform_indices = @transform_0, window_bounds = array<i64: 1000, 128>}, {pipeline_mode = #tpu.pipeline_mode<synchronous>, transform_indices = @transform_1, window_bounds = array<i64: 128, 128>}, {transform_indices = @transform_2, window_bounds = array<i64: 1000, 128>}]} {
    %get3A = arith.constant 0 : index
    %get3A_0 = arith.constant 0 : index
    %get3A_1 = vector.load %arg1[%get3A, %get3A_0] : memref<1000x128xf32, #tpu.memory_space<vmem>>, vector<1000x128xf32>
    %get3A_2 = arith.constant 0 : index
    %get3A_3 = arith.constant 0 : index
    %get3A_4 = vector.load %arg2[%get3A_2, %get3A_3] : memref<128x128xf32, #tpu.memory_space<vmem>>, vector<128x128xf32>
    %dot_general3A = arith.constant dense<0.000000e+00> : vector<1000x128xf32>
    %dot_general3A_5 = tpu.matmul %get3A_1, %get3A_4, %dot_general3A {dimension_numbers = #tpu.dot_dimension_numbers<[1], [0], [0], [1], [0, 0, 1, 1], [], []>, transpose_lhs_hint = false} : vector<1000x128xf32>, vector<128x128xf32>, vector<1000x128xf32> -> vector<1000x128xf32>
    %swap3A = arith.constant 0 : index
    %swap3A_6 = arith.constant 0 : index
    %swap3A_7 = vector.load %arg3[%swap3A, %swap3A_6] : memref<1000x128xf32, #tpu.memory_space<vmem>>, vector<1000x128xf32>
    tpu.vector_store %arg3[%swap3A, %swap3A_6], %dot_general3A_5 {strides = array<i32>} : memref<1000x128xf32, #tpu.memory_space<vmem>>, vector<1000x128xf32>,
    return
  }
  func.func @transform_0(%arg0: i32) -> (i32, i32) {
    %c0_i32 = arith.constant 0 : i32
    %c0_i32_0 = arith.constant 0 : i32
    return %arg0, %c0_i32 : i32, i32
  }
  func.func @transform_1(%arg0: i32) -> (i32, i32) {
    %c0_i32 = arith.constant 0 : i32
    %c0_i32_0 = arith.constant 0 : i32
    %c0_i32_1 = arith.constant 0 : i32
    return %c0_i32, %c0_i32_0 : i32, i32
  }
  func.func @transform_2(%arg0: i32) -> (i32, i32) {
    %c0_i32 = arith.constant 0 : i32
    %c0_i32_0 = arith.constant 0 : i32
    return %arg0, %c0_i32 : i32, i32
  }
}

module attributes {stable_mosaic.version = 14 : i64} {
  func.func @_relu_mm_body(%arg0: i32, %arg1: memref<1000x128xf32, #tpu.memory_space<vmem>>, %arg2: memref<1000x128xf32, #tpu.memory_space<vmem>>, %arg3: memref<1x128xf32, #tpu.memory_space<vmem>>, %arg4: memref<128x128xf32, #tpu.memory_space<vmem>>, %arg5: memref<1000x128xf32, #tpu.memory_space<vmem>>) attributes {dimension_semantics = [#tpu.dimension_semantics<arbitrary>], iteration_bounds = array<i64: 10>, scalar_prefetch = 0 : i64, scratch_operands = 0 : i64, tpu.core_type = #tpu.core_type<tc>, window_params = [{transform_indices = @transform_0, window_bounds = array<i64: 1000, 128>}, {transform_indices = @transform_1, window_bounds = array<i64: 1000, 128>}, {pipeline_mode = #tpu.pipeline_mode<synchronous>, transform_indices = @transform_2, window_bounds = array<i64: 1, 128>}, {pipeline_mode = #tpu.pipeline_mode<synchronous>, transform_indices = @transform_3, window_bounds = array<i64: 128, 128>}, {transform_indices = @transform_4, window_bounds = array<i64: 1000, 128>}]} {
    %get3A = arith.constant 0 : index
    %get3A_0 = arith.constant 0 : index
    %get3A_1 = vector.load %arg1[%get3A, %get3A_0] : memref<1000x128xf32, #tpu.memory_space<vmem>>, vector<1000x128xf32>
    %get3A_2 = arith.constant 0 : index
    %get3A_3 = arith.constant 0 : index
    %get3A_4 = vector.load %arg2[%get3A_2, %get3A_3] : memref<1000x128xf32, #tpu.memory_space<vmem>>, vector<1000x128xf32>
    %add3A = arith.addf %get3A_1, %get3A_4 : vector<1000x128xf32>
    %get3A_5 = arith.constant 0 : index
    %get3A_6 = arith.constant 0 : index
    %get3A_7 = vector.load %arg3[%get3A_5, %get3A_6] : memref<1x128xf32, #tpu.memory_space<vmem>>, vector<1x128xf32>
    %add3A_8 = vector.broadcast %get3A_7 : vector<1x128xf32> to vector<1000x128xf32>
    %add3A_9 = arith.addf %add3A, %add3A_8 : vector<1000x128xf32>
    %max3A = arith.constant 0.000000e+00 : f32
    %max3A_10 = vector.broadcast %max3A : f32 to vector<1000x128xf32>
    %max3A_11 = arith.maximumf %add3A_9, %max3A_10 : vector<1000x128xf32>
    %get3A_12 = arith.constant 0 : index
    %get3A_13 = arith.constant 0 : index
    %get3A_14 = vector.load %arg4[%get3A_12, %get3A_13] : memref<128x128xf32, #tpu.memory_space<vmem>>, vector<128x128xf32>
    %dot_general3A = arith.constant dense<0.000000e+00> : vector<1000x128xf32>
    %dot_general3A_15 = tpu.matmul %max3A_11, %get3A_14, %dot_general3A {dimension_numbers = #tpu.dot_dimension_numbers<[1], [0], [0], [1], [0, 0, 1, 1], [], []>, transpose_lhs_hint = false} : vector<1000x128xf32>, vector<128x128xf32>, vector<1000x128xf32> -> vector<1000x128xf32>
    %swap3A = arith.constant 0 : index
    %swap3A_16 = arith.constant 0 : index
    %swap3A_17 = vector.load %arg5[%swap3A, %swap3A_16] : memref<1000x128xf32, #tpu.memory_space<vmem>>, vector<1000x128xf32>
    tpu.vector_store %arg5[%swap3A, %swap3A_16], %dot_general3A_15 {strides = array<i32>} : memref<1000x128xf32, #tpu.memory_space<vmem>>, vector<1000x128xf32>,
    return
  }
  func.func @transform_0(%arg0: i32) -> (i32, i32) {
    %c0_i32 = arith.constant 0 : i32
    %c0_i32_0 = arith.constant 0 : i32
    return %arg0, %c0_i32 : i32, i32
  }
  func.func @transform_1(%arg0: i32) -> (i32, i32) {
    %add3A = arith.constant 10 : i32
    %add3A_0 = arith.addi %arg0, %add3A : i32
    %c0_i32 = arith.constant 0 : i32
    %c0_i32_1 = arith.constant 0 : i32
    return %add3A_0, %c0_i32 : i32, i32
  }
  func.func @transform_2(%arg0: i32) -> (i32, i32) {
    %c0_i32 = arith.constant 0 : i32
    %c0_i32_0 = arith.constant 0 : i32
    %c0_i32_1 = arith.constant 0 : i32
    return %c0_i32, %c0_i32_0 : i32, i32
  }
  func.func @transform_3(%arg0: i32) -> (i32, i32) {
    %c0_i32 = arith.constant 0 : i32
    %c0_i32_0 = arith.constant 0 : i32
    %c0_i32_1 = arith.constant 0 : i32
    return %c0_i32, %c0_i32_0 : i32, i32
  }
  func.func @transform_4(%arg0: i32) -> (i32, i32) {
    %c0_i32 = arith.constant 0 : i32
    %c0_i32_0 = arith.constant 0 : i32
    return %arg0, %c0_i32 : i32, i32
  }
}

module attributes {stable_mosaic.version = 14 : i64} {
  func.func @_lsm_body(%arg0: i32, %arg1: memref<4096x128xf32, #tpu.memory_space<vmem>>, %arg2: memref<1x40xf32, #tpu.memory_space<vmem>>, %arg3: memref<1000x40xf32, #tpu.memory_space<vmem>>) attributes {dimension_semantics = [#tpu.dimension_semantics<arbitrary>], iteration_bounds = array<i64: 1>, scalar_prefetch = 0 : i64, scratch_operands = 0 : i64, tpu.core_type = #tpu.core_type<tc>, window_params = [{pipeline_mode = #tpu.pipeline_mode<synchronous>, transform_indices = @transform_0, window_bounds = array<i64: 4096, 128>}, {pipeline_mode = #tpu.pipeline_mode<synchronous>, transform_indices = @transform_1, window_bounds = array<i64: 1, 40>}, {pipeline_mode = #tpu.pipeline_mode<synchronous>, transform_indices = @transform_2, window_bounds = array<i64: 1000, 40>}]} {
    %get3A = arith.constant 0 : index
    %get3A_0 = arith.constant 0 : index
    %get3A_1 = vector.load %arg1[%get3A, %get3A_0] : memref<4096x128xf32, #tpu.memory_space<vmem>>, vector<1000x40xf32>
    %get3A_2 = arith.constant 2048 : index
    %get3A_3 = arith.constant 0 : index
    %get3A_4 = vector.load %arg1[%get3A_2, %get3A_3] : memref<4096x128xf32, #tpu.memory_space<vmem>>, vector<1000x40xf32>
    %add3A = arith.addf %get3A_1, %get3A_4 : vector<1000x40xf32>
    %get3A_5 = arith.constant 0 : index
    %get3A_6 = arith.constant 0 : index
    %get3A_7 = vector.load %arg2[%get3A_5, %get3A_6] : memref<1x40xf32, #tpu.memory_space<vmem>>, vector<1x40xf32>
    %add3A_8 = vector.broadcast %get3A_7 : vector<1x40xf32> to vector<1000x40xf32>
    %add3A_9 = arith.addf %add3A, %add3A_8 : vector<1000x40xf32>
    %reduce_max3A = arith.constant dense<0xFF800000> : vector<1000xf32>
    %reduce_max3A_10 = vector.multi_reduction <maximumf>, %add3A_9, %reduce_max3A [1] : vector<1000x40xf32> to vector<1000xf32>
    %broadcast_in_dim3A = vector.shape_cast %reduce_max3A_10 : vector<1000xf32> to vector<1000x1xf32>
    %sub3A = vector.broadcast %broadcast_in_dim3A : vector<1000x1xf32> to vector<1000x40xf32>
    %sub3A_11 = arith.subf %add3A_9, %sub3A : vector<1000x40xf32>
    %exp3A = math.exp %sub3A_11 : vector<1000x40xf32>
    %reduce_sum3A = arith.constant dense<0.000000e+00> : vector<1000xf32>
    %reduce_sum3A_12 = vector.multi_reduction <add>, %exp3A, %reduce_sum3A [1] : vector<1000x40xf32> to vector<1000xf32>
    %broadcast_in_dim3A_13 = vector.shape_cast %reduce_sum3A_12 : vector<1000xf32> to vector<1000x1xf32>
    %log3A = math.log %broadcast_in_dim3A_13 : vector<1000x1xf32>
    %sub3A_14 = vector.broadcast %broadcast_in_dim3A : vector<1000x1xf32> to vector<1000x40xf32>
    %sub3A_15 = arith.subf %add3A_9, %sub3A_14 : vector<1000x40xf32>
    %sub3A_16 = vector.broadcast %log3A : vector<1000x1xf32> to vector<1000x40xf32>
    %sub3A_17 = arith.subf %sub3A_15, %sub3A_16 : vector<1000x40xf32>
    %swap3A = arith.constant 0 : index
    %swap3A_18 = arith.constant 0 : index
    %swap3A_19 = vector.load %arg3[%swap3A, %swap3A_18] : memref<1000x40xf32, #tpu.memory_space<vmem>>, vector<1000x40xf32>
    tpu.vector_store %arg3[%swap3A, %swap3A_18], %sub3A_17 {strides = array<i32>} : memref<1000x40xf32, #tpu.memory_space<vmem>>, vector<1000x40xf32>,
    return
  }
  func.func @transform_0(%arg0: i32) -> (i32, i32) {
    %c0_i32 = arith.constant 0 : i32
    %c0_i32_0 = arith.constant 0 : i32
    %c0_i32_1 = arith.constant 0 : i32
    return %c0_i32, %c0_i32_0 : i32, i32
  }
  func.func @transform_1(%arg0: i32) -> (i32, i32) {
    %c0_i32 = arith.constant 0 : i32
    %c0_i32_0 = arith.constant 0 : i32
    %c0_i32_1 = arith.constant 0 : i32
    return %c0_i32, %c0_i32_0 : i32, i32
  }
  func.func @transform_2(%arg0: i32) -> (i32, i32) {
    %c0_i32 = arith.constant 0 : i32
    %c0_i32_0 = arith.constant 0 : i32
    %c0_i32_1 = arith.constant 0 : i32
    return %c0_i32, %c0_i32_0 : i32, i32
  }
}

</mosaic_0001>

<sc_bundles>
// kernel: kernel.10.cloned.1.call-start
scs
__scs_entry_jumppad:
0x0: {  	(pc) =	sbr.rel $0x88, $3  }
0x1: {  	(tag) =	ssettag $0x0;
	lr =	simm.s32 $0x1  }
0x2: {  	[smem:$0x3F98] =	sst lr;
	_ =	strace $0xD0000000  }
0x3: {  	_ = 	snop  }
0x4: {  	_ = 	snop  }
0x5: {  	_ = 	snop  }
0x6: {  	_ = 	snop  }
0x7: {  	_ = 	snop  }
__scs_overlays_trampoline_lowered:
0x8: {  	[smem:$0x3FA7] =	sst s0  }
0x9: {  	[smem:$0x3FA8] =	sst s1  }
0xa: {  	[smem:$0x3FA9] =	sst s2  }
0xb: {  	[smem:$0x3FAA] =	sst s3  }
0xc: {  	[smem:$0x3FAB] =	sst s4  }
0xd: {  	[smem:$0x3FAC] =	sst s5  }
0xe: {  	[smem:$0x3FAD] =	sst s6  }
0xf: {  	[smem:$0x3FAE] =	sst s7  }
0x10: {  	[smem:$0x3FAF] =	sst s8  }
0x11: {  	[smem:$0x3FB0] =	sst s9;
	s0 =	simm.s32 @!p0 $0x0  }
0x12: {  	s1 =	sld [smem:$0x3F96];
	s0 =	simm.s32 @p0 $0x1  }
0x13: {  	[smem:$0x3FB1] =	sst s0;
	s0 =	simm.s32 @!p1 $0x0  }
0x14: {  	s2 =	sld [smem:$0x3F95];
	s0 =	simm.s32 @p1 $0x1  }
0x15: {  	[smem:$0x3FB2] =	sst s0;
	s0 =	simm.s32 @!p2 $0x0  }
0x16: {  	s3 =	sld [smem:$0x3FDB];
	s0 =	simm.s32 @p2 $0x1  }
0x17: {  	s4 =	simm.s32 $0x1BF5;
	[smem:$0x3FB4] =	sst s0  }
0x18: {  	s0 =	sld [smem:$0x3F97];
	_ =	swait.ge [sflag:s4], $0x0  }
0x19: {  	s7 =	sld [smem:$0x3F98]  }
0x1a: {  	s8 =	sadd.s32 $0xFFFFE003, lr  }
0x1b: {  	s9 =	sadd.s32 $0xFFFFFEF7, lr;
	s5 =	simm.s32 $0xFFFFFFFF;
	p2 =	slt.u32 s8, $0xFFFFF086  }
0x1c: {  	p1 =	slt.u32 s9, $0xF7A;
	s5 =	simm.s32 @!p2 $0x0  }
0x1d: {  	s5 =	simm.s32 @p1 $0x1;
	p0 =	seq.s32 s7, s2  }
0x1e: {  	s7 =	smul.u32 @!p0 $0xF7A, s2;
	p2 =	seq.s32 @!p0 s5, $0x0  }
0x1f: {  	s9 =	smul.u32 $0xF7A, s1;
	s8 =	simm.s32 @!p0 $0x1BF5;
	p2 =	por !p2, p0  }
0x20: {  	[sflag:s8] =	ssyncset.s32 @!p0 $0xFFFFF086;
	s6 =	sadd.s32 @!p0 s3, s7;
	s7 =	simm.s32 @!p0 $0x108  }
0x21: {  	s3 =	sadd.s32 s3, s9;
	s6 =	sadd.s32 @!p0 $0x88, s6;
	s7 =	simm.s32 @p2 $0x1082  }
0x22: {  	[simem:s7], [sflag:s8] =	dma.local @!p0 [hbm:s6], $0xF7A  }
0x23: {  	s9 =	sor.u32 $0xD0000000, s2;
	s6 =	simm.s32 $0x108;
	_ =	swait.ge @!p0 [sflag:s8], $0x0  }
0x24: {  	s3 =	sadd.s32 $0x88, s3;
	s6 =	simm.s32 @!p1 $0x1082;
	[sflag:s4] =	ssyncset.s32 $0xFFFFF086  }
0x25: {  	[simem:s6], [sflag:s4] =	dma.local [hbm:s3], $0xF7A  }
0x26: {  	[smem:$0x3F98] =	sst s1;
	(tag) =	ssettag s2;
	_ =	strace s9  }
0x27: {  	s1 =	sld [smem:$0x3FA8]  }
0x28: {  	s2 =	sld [smem:$0x3FA9]  }
0x29: {  	s4 =	sld [smem:$0x3FAB]  }
0x2a: {  	p0 =	seq.s32 s5, $0x0;
	s5 =	sld [smem:$0x3FAC]  }
0x2b: {  	s6 =	sld [smem:$0x3FAD]  }
0x2c: {  	s7 =	sld [smem:$0x3FAE]  }
0x2d: {  	s3 =	simm.s32 $0x108;
	s8 =	sld [smem:$0x3FAF]  }
0x2e: {  	s3 =	simm.s32 @!p0 $0x1082;
	s9 =	sld [smem:$0x3FB0]  }
0x2f: {  	lr =	sadd.s32 s0, s3;
	s0 =	sld [smem:$0x3FA7]  }
0x30: {  	s3 =	sld [smem:$0x3FAA]  }
0x31: {  	[smem:$0x3FB3] =	sst s10  }
0x32: {  	s10 =	sld [smem:$0x3FB1];
	_ =	sdelay $0x3  }
0x33: {  	p0 =	seq.s32 s10, $0x1;
	s10 =	sld [smem:$0x3FB3];
	_ =	sdelay $0x3  }
0x34: {  	[smem:$0x3FB3] =	sst s10  }
0x35: {  	s10 =	sld [smem:$0x3FB2];
	_ =	sdelay $0x3  }
0x36: {  	p1 =	seq.s32 s10, $0x1;
	s10 =	sld [smem:$0x3FB3];
	_ =	sdelay $0x3  }
0x37: {  	[smem:$0x3FB3] =	sst s10  }
0x38: {  	s10 =	sld [smem:$0x3FB4]  }
0x39: {  	_ = 	snop;
	(pc) =	sbr.ind lr, $3  }
0x3a: {  	_ = 	snop  }
0x3b: {  	_ = 	snop  }
0x3c: {  	p2 =	seq.s32 s10, $0x1;
	s10 =	sld [smem:$0x3FB3]  }
0x3d: {  	_ =	shalt  }
0x3e: {  	_ =	shalt  }
0x3f: {  	_ =	shalt  }
0x40: {  	_ =	shalt  }
0x41: {  	_ =	shalt  }
0x42: {  	_ =	shalt  }
0x43: {  	_ =	shalt  }
0x44: {  	_ =	shalt  }
0x45: {  	_ =	shalt  }
0x46: {  	_ =	shalt  }
0x47: {  	_ =	shalt  }
0x48: {  	_ =	shalt  }
0x49: {  	_ =	shalt  }
0x4a: {  	_ =	shalt  }
0x4b: {  	_ =	shalt  }
0x4c: {  	_ =	shalt  }
0x4d: {  	_ =	shalt  }
0x4e: {  	_ =	shalt  }
0x4f: {  	_ =	shalt  }
0x50: {  	_ =	shalt  }
0x51: {  	_ =	shalt  }
0x52: {  	_ =	shalt  }
0x53: {  	_ =	shalt  }
0x54: {  	_ =	shalt  }
0x55: {  	_ =	shalt  }
0x56: {  	_ =	shalt  }
0x57: {  	_ =	shalt  }
0x58: {  	_ =	shalt  }
0x59: {  	_ =	shalt  }
0x5a: {  	_ =	shalt  }
0x5b: {  	_ =	shalt  }
0x5c: {  	_ =	shalt  }
0x5d: {  	_ =	shalt  }
0x5e: {  	_ =	shalt  }
0x5f: {  	_ =	shalt  }
0x60: {  	_ =	shalt  }
0x61: {  	_ =	shalt  }
0x62: {  	_ =	shalt  }
0x63: {  	_ =	shalt  }
0x64: {  	_ =	shalt  }
0x65: {  	_ =	shalt  }
0x66: {  	_ =	shalt  }
0x67: {  	_ =	shalt  }
0x68: {  	_ =	shalt  }
0x69: {  	_ =	shalt  }
0x6a: {  	_ =	shalt  }
0x6b: {  	_ =	shalt  }
0x6c: {  	_ =	shalt  }
0x6d: {  	_ =	shalt  }
0x6e: {  	_ =	shalt  }
0x6f: {  	_ =	shalt  }
0x70: {  	_ =	shalt  }
0x71: {  	_ =	shalt  }
0x72: {  	_ =	shalt  }
0x73: {  	_ =	shalt  }
0x74: {  	_ =	shalt  }
0x75: {  	_ =	shalt  }
0x76: {  	_ =	shalt  }
0x77: {  	_ =	shalt  }
0x78: {  	_ =	shalt  }
0x79: {  	_ =	shalt  }
0x7a: {  	_ =	shalt  }
0x7b: {  	_ =	shalt  }
0x7c: {  	_ =	shalt  }
0x7d: {  	_ =	shalt  }
0x7e: {  	_ =	shalt  }
0x7f: {  	_ =	shalt  }
0x80: {  	_ =	shalt  }
0x81: {  	_ =	shalt  }
0x82: {  	_ =	shalt  }
0x83: {  	_ =	shalt  }
0x84: {  	_ =	shalt  }
0x85: {  	_ =	shalt  }
0x86: {  	_ =	shalt  }
0x87: {  	_ =	shalt  }
.Lfunc_end0:
.L_simem_size_0:
called_computation.1_lowered:
.L_overlay_start_0:
0x88: {  	s2 =	sld [smem:$0x3FD9]  }
0x89: {  	s3 =	sld [smem:$0x3FFE];
	_ =	sdelay $0x1  }
0x8a: {  	s1 =	srdreg.scid  }
0x8b: {  	s0 =	sand.u32 $0x1, s1  }
0x8c: {  	s17 =	sshll.u32 s0, $0xA;
	s2 =	sadd.s32 s3, s2  }
0x8d: {  	s2 =	sadd.s32 s2, s17  }
0x8e: {  	[smem:$0x3FBF] =	sst s2  }
0x8f: {  	_ = 	snop  }
0x90: {  	s2 =	sld [smem:$0x3FD0];
	(tm) =	ssettm $0x1  }
0x91: {  	s18 =	sld [smem:$0x3FFB];
	_ =	sdelay $0x3  }
0x92: {  	_ =	strace s18  }
0x93: {  	s3 =	sld [smem:$0x3FFC];
	_ =	sdelay $0x3  }
0x94: {  	_ =	strace s3  }
0x95: {  	s3 =	sld [smem:$0x3FFD];
	_ =	sdelay $0x3  }
0x96: {  	_ =	strace s3  }
0x97: {  	_ =	strace $0x8FFFFFFF  }
0x98: {  	s19 =	sld [smem:$0x3FDB];
	_ =	sdelay $0x1  }
0x99: {  	s4 =	simm.s32 $_scs_section_size  }
0x9a: {  	s5 =	simm.s32 $_size__tile_overlayer_lowered;
	s6 =	simm.s32 $_tile_overlayer_lowered  }
0x9b: {  	s22 =	simm.s32 $0x1BFF;
	s21 =	sshll.u32 s6, $0x1;
	s3 =	sadd.s32 s4, s19  }
0x9c: {  	s7 =	simm.s32 $0x0;
	s20 =	sshll.u32 s5, $0x1;
	s5 =	sadd.s32 s21, s3  }
0x9d: {  	[timem:s7], [sflag:s22] =	dma.local [hbm:s5], s20  }
0x9e: {  	_ =	swait.ge [sflag:s22], s20  }
0x9f: {  	s4 =	ssub.s32 $0x0, s20;
	[sflag:s22] =	ssyncset.done $0x0  }
0xa0: {  	[sflag:s22] =	ssyncadd.s32 s4;
	_ =	sdelay $0x1  }
0xa1: {  	s23 =	simm.s32 $0x1B8B  }
0xa2: {  	_ =	swait.ge [sflag:s23], $0x1  }
0xa3: {  	[sflag:s23] =	ssyncset.done $0x0  }
0xa4: {  	s25 =	simm.s32 $0x1B8E;
	s24 =	sld [smem:$0x3FFE];
	[sflag:s23] =	ssyncadd.s32 $0xFFFFFFFF  }
0xa5: {  	s26 =	simm.s32 $execute0_lowered;
	[smem:$0x3FD2] =	sst s25  }
0xa6: {  	s5 =	sshll.u32 s26, $0x1;
	_ =	strace $0x80000049;
	[dreg:$0x1] =	wrdreg $0xFFFFFFFF  }
0xa7: {  	s28 =	simm.s32 $_size_execute0_lowered;
	s3 =	sadd.s32 s3, s5;
	[dreg:$0x0] =	wrdreg $0x0  }
0xa8: {  	s5 =	sshll.u32 s28, $0x1;
	[dreg:$0x2] =	wrdreg s3  }
0xa9: {  	[dreg:$0x3] =	wrdreg s5  }
0xaa: {  	[dreg:$0x4] =	wrdreg $0xC0  }
0xab: {  	_ =	task [dreg:s7], $0x5FFFF  }
0xac: {  	[dreg:$0x1] =	wrdreg $0xFFFFFFFF  }
0xad: {  	[dreg:$0x0] =	wrdreg $0x60  }
0xae: {  	[dreg:$0x2] =	wrdreg s24  }
0xaf: {  	[dreg:$0x3] =	wrdreg s2  }
0xb0: {  	[dreg:$0x4] =	wrdreg $0x84000  }
0xb1: {  	[dreg:$0x5] =	wrdreg $0x9  }
0xb2: {  	_ =	task.clear_ibuf [dreg:s7], $0x6FFFF;
	_ =	strace $0x90000049  }
0xb3: {  	s29 =	simm.s32 $0x9;
	_ =	strace $0x8000004B  }
0xb4: {  	_ =	swait.ge [sflag:s29], $0x1  }
0xb5: {  	[sflag:s29] =	ssyncadd.s32 $0xFFFFFFFF  }
0xb6: {  	_ =	strace $0x9000004B  }
0xb7: {  	_ =	sfence  }
0xb8: {  	s30 =	sld [smem:$0x0];
	_ =	sdelay $0x2  }
0xb9: {  	s31 =	sshll.u32 s1, $0xD;
	s1 =	sshrl.u32 s1, $0x2  }
0xba: {  	s3 =	sand.u32 $0x4000, s31;
	s1 =	sadd.s32 s1, s30  }
0xbb: {  	s0 =	sor.u32 s3, s0;
	s1 =	sshll.u32 s1, $0x11  }
0xbc: {  	s0 =	sor.u32 s1, s0  }
0xbd: {  	s0 =	sadd.s32 $0x8F2B, s0  }
0xbe: {  	[sflag:s0] =	ssyncadd.remote.s32 $0x1  }
0xbf: {  	_ =	sfence.sel $0xFFFF  }
0xc0: {  	[dreg:$0x0] =	wrdreg $0xFFFFFFFF;
	(pc) =	sbr.abs _section_cstart, $3  }
0xc1: {  	[dreg:$0x1] =	wrdreg $0xFFFFFFFF  }
0xc2: {  	_ =	task.clear_ibuf [dreg:s7], $0x2FFFF;
	_ =	strace $0x9FFFFFFF  }
0xc3: {  	(tm) =	ssettm $0x7FFFFFFF  }
tec
execute0_lowered:
.L_overlay_start_1:
0x0: {  	(tag) =	ssettag $0x1  }
0x1: {  	s0 =	rddreg [dreg:$0x0]  }
0x2: {  	s2 =	rddreg [dreg:$0x2];
	s3 =	simm.s32 $0x0  }
0x3: {  	s1 =	srdreg.scid;
	s12 =	stileid.u32;
	s8 =	simm.s32 $0x40  }
0x4: {  	s19 =	simm.s32 $0x7;
	s30 =	simm.s32 $0x300;
	s31 =	simm.s32 $0x380  }
0x5: {  	s28 =	simm.s32 $0x4400;
	s29 =	simm.s32 $0x0;
	[smem:$0x7FF] =	sst s3  }
0x6: {  	s5 =	sadd.s32 $0xE00, s0;
	s6 =	sadd.s32 $0x8CA00, s0;
	s1 =	sand.u32 $0x1, s1  }
0x7: {  	s7 =	sadd.s32 $0x91A00, s0;
	s4 =	sshll.u32 s12, $0xB;
	s11 =	sshll.u32 s12, $0xD  }
0x8: {  	s20 =	sshll.u32 s12, $0xE;
	s21 =	sshll.u32 s12, $0x6;
	_ =	strace $0x8000004A  }
0x9: {  	s9 =	ssub.s32 $0x2, s1;
	s0 =	sadd.s32 s4, s0;
	p0 =	seq.s32 s1, $0x0  }
0xa: {  	s4 =	sor.u32 $0x20000, s4;
	s18 =	sadd.s32 s20, s2;
	[dreg:$0x5] =	wrdreg s30  }
0xb: {  	s1 =	sshll.u32 s1, $0xF;
	s20 =	simm.s32 $0x200;
	[dreg:$0x6] =	wrdreg s31  }
0xc: {  	s10 =	sshrl.u32 s9, $0x1;
	s8 =	simm.s32 @!p0 $0x10;
	s4 =	smov.u32 @p0 s11  }
0xd: {  	s0 =	sadd.s32 s1, s0;
	s18 =	sshrl.u32 s18, $0x3;
	s10 =	ssub.s32 s9, s10  }
0xe: {  	s22 =	sshrl.u32 s4, $0x3;
	s9 =	sor.u32 $0x1C07, s21;
	s25 =	sadd.s32 $0xFFFFFFFF, s8  }
0xf: {  	s26 =	sshrl.u32 s8, $0x2;
	s15 =	sadd.s32 $0x28000, s0;
	s17 =	sor.u32 $0x180, s4  }
0x10: {  	s21 =	simm.s32 $0x1;
	s23 =	sor.u32 $0x10, s22;
	[dreg:$0xb] =	wrdreg s26  }
0x11: {  	s13 =	sadd.s32 s6, s22;
	s12 =	sadd.s32 s7, s22;
	[dreg:$0x4] =	wrdreg s25  }
0x12: {  	s16 =	smax.u32 s10, $0x1;
	s22 =	simm.s32 $0x80;
	[dreg:$0x7] =	wrdreg s13  }
0x13: {  	s25 =	simm.s32 $0x5;
	[dreg:$0x8] =	wrdreg s12;
	s24 =	sadd.s32 s6, s23  }
0x14: {  	s26 =	simm.s32 $0x6;
	s11 =	sadd.s32 s7, s23;
	[dreg:$0x9] =	wrdreg s24  }
0x15: {  	s23 =	simm.s32 $0x400;
	[dreg:$0xa] =	wrdreg s11;
	s24 =	simm.s32 $0x280  }
.LBB2_1:
0x16: {  	s0 =	rddreg [dreg:$0x1]  }
0x17: {  	[spmem:s18], [sflag:s9] =	dma.local [hbm:s0], $0x800  }
0x18: {  	_ =	swait.ge [sflag:s19], $0x800  }
0x19: {  	[sflag:s19] =	ssyncset.done $0x0  }
0x1a: {  	[sflag:s19] =	ssyncadd.s32 $0xFFFFF800  }
0x1b: {  	[bflag:$0x0] =	sbarrier.arrive $0xFFFF  }
0x1c: {  	s4 =	rddreg [dreg:$0x7]  }
0x1d: {  	[tilespmem:s3], [sflag:$0x1] =	stream.linear.gather [hbm4b:s4+s3], $0x80, $0x38;
	[tilespmem:$0xC400] =	vst v63  }
0x1e: {  	s10 =	rddreg [dreg:$0x8]  }
0x1f: {  	[tilespmem:s20], [sflag:$0x1] =	stream.linear.gather [hbm4b:s10+s3], $0x80, $0x38;
	[tilespmem:$0xC400] =	vst v63  }
0x20: {  	_ =	swait.ge [sflag:s21], $0x80  }
0x21: {  	[sflag:s21] =	ssyncset.done $0x0  }
0x22: {  	[sflag:s21] =	ssyncadd.s32 $0xFFFFFF80  }
0x23: {  	_ =	swait.ge [sflag:s21], $0x80  }
0x24: {  	[sflag:s21] =	ssyncset.done $0x0  }
0x25: {  	s12 =	rddreg [dreg:$0x4];
	[sflag:s21] =	ssyncadd.s32 $0xFFFFFF80  }
0x26: {  	[tilespmem:s23], [sflag:$0x5] =	stream.indirect.gather [hbm4b:s5+s22], $0x80, s3, s22, $0xb8;
	[tilespmem:$0xC400] =	vst v63  }
0x27: {  	s11 =	rddreg [dreg:$0x9];
	p0 =	sle.s32 s12, $0x0  }
0x28: {  	[tilespmem:s22], [sflag:$0x2] =	stream.linear.gather [hbm4b:s11+s3], $0x80, $0x38;
	[tilespmem:$0xC400] =	vst v63  }
0x29: {  	s1 =	rddreg [dreg:$0xa];
	s0 =	simm.s32 @!p0 $0x2  }
0x2a: {  	[tilespmem:s24], [sflag:$0x2] =	stream.linear.gather [hbm4b:s1+s3], $0x80, $0x38;
	[tilespmem:$0xC400] =	vst v63  }
0x2b: {  	_ =	swait.ge @!p0 [sflag:s0], $0x80  }
0x2c: {  	[sflag:s0] =	ssyncset.done @!p0 $0x0  }
0x2d: {  	[sflag:s0] =	ssyncadd.s32 @!p0 $0xFFFFFF80  }
0x2e: {  	_ =	swait.ge @!p0 [sflag:s0], $0x80  }
0x2f: {  	[sflag:s0] =	ssyncset.done @!p0 $0x0  }
0x30: {  	s1 =	simm.s32 @!p0 $0x4400;
	[sflag:s0] =	ssyncadd.s32 @!p0 $0xFFFFFF80;
	s0 =	simm.s32 @!p0 $0x80  }
0x31: {  	[tilespmem:s1], [sflag:$0x6] =	stream.indirect.gather @!p0 [hbm4b:s5+s0], $0x80, s0, s0, $0xb8;
	[tilespmem:$0xC400] =	vst v63  }
0x32: {  	_ =	swait.ge [sflag:s25], $0x4000  }
0x33: {  	[sflag:s25] =	ssyncset.done $0x0  }
0x34: {  	p0 =	sle.u32 s8, $0x2;
	[sflag:s25] =	ssyncadd.s32 $0xFFFFC000  }
0x35: {  	[spmem:s2] =	stream.indirect.scatter.add.f32 [tilespmem:s23], [sflag:$0x7], $0x80, s20, s22, $0xb8;
	[tilespmem:$0xC400] =	vst v63  }
0x36: {  	s0 =	sadd.s32 @!p0 $0xFFFFFF80, s17;
	_ =	swait.ge [sflag:s19], $0x4000  }
0x37: {  	s4 =	simm.s32 @!p0 $0x0;
	s0 =	sshrl.u32 @!p0 s0, $0x3;
	[sflag:s19] =	ssyncset.done $0x0  }
0x38: {  	s10 =	simm.s32 @!p0 $0x100;
	s1 =	sadd.s32 @!p0 s6, s0;
	[sflag:s19] =	ssyncadd.s32 $0xFFFFC000  }
0x39: {  	[tilespmem:s10], [sflag:$0x3] =	stream.linear.gather @!p0 [hbm4b:s1+s4], $0x80, $0x38;
	[tilespmem:$0xC400] =	vst v63  }
0x3a: {  	s11 =	simm.s32 @!p0 $0x3;
	s0 =	sadd.s32 @!p0 s7, s0;
	s1 =	simm.s32 @!p0 $0x300  }
0x3b: {  	[tilespmem:s1], [sflag:$0x3] =	stream.linear.gather @!p0 [hbm4b:s0+s4], $0x80, $0x38;
	[tilespmem:$0xC400] =	vst v63  }
0x3c: {  	_ =	swait.ge @!p0 [sflag:s11], $0x80  }
0x3d: {  	[sflag:s11] =	ssyncset.done @!p0 $0x0  }
0x3e: {  	[sflag:s11] =	ssyncadd.s32 @!p0 $0xFFFFFF80  }
0x3f: {  	_ =	swait.ge @!p0 [sflag:s11], $0x80  }
0x40: {  	[sflag:s11] =	ssyncset.done @!p0 $0x0  }
0x41: {  	s0 =	simm.s32 @!p0 $0x80;
	s1 =	simm.s32 @!p0 $0x400;
	[sflag:s11] =	ssyncadd.s32 @!p0 $0xFFFFFF80  }
0x42: {  	[tilespmem:s1], [sflag:$0x5] =	stream.indirect.gather @!p0 [hbm4b:s5+s0], $0x80, s10, s0, $0xb8;
	[tilespmem:$0xC400] =	vst v63  }
0x43: {  	_ =	swait.ge [sflag:s26], $0x4000  }
0x44: {  	[sflag:s26] =	ssyncset.done $0x0  }
0x45: {  	[sflag:s26] =	ssyncadd.s32 $0xFFFFC000  }
0x46: {  	[spmem:s2] =	stream.indirect.scatter.add.f32 [tilespmem:s28], [sflag:$0x7], $0x80, s24, s22, $0xb8;
	[tilespmem:$0xC400] =	vst v63  }
0x47: {  	p0 =	sle.u32 s8, $0x3;
	_ =	swait.ge [sflag:s19], $0x4000  }
0x48: {  	s0 =	sshrl.u32 @!p0 s17, $0x3;
	s1 =	simm.s32 @!p0 $0x180;
	[sflag:s19] =	ssyncset.done $0x0  }
0x49: {  	s10 =	simm.s32 @!p0 $0x0;
	s4 =	sadd.s32 @!p0 s6, s0;
	[sflag:s19] =	ssyncadd.s32 $0xFFFFC000  }
0x4a: {  	[tilespmem:s1], [sflag:$0x4] =	stream.linear.gather @!p0 [hbm4b:s4+s10], $0x80, $0x38;
	[tilespmem:$0xC400] =	vst v63  }
0x4b: {  	s11 =	simm.s32 @!p0 $0x4;
	s0 =	sadd.s32 @!p0 s7, s0;
	s4 =	simm.s32 @!p0 $0x380  }
0x4c: {  	[tilespmem:s4], [sflag:$0x4] =	stream.linear.gather @!p0 [hbm4b:s0+s10], $0x80, $0x38;
	[tilespmem:$0xC400] =	vst v63  }
0x4d: {  	_ =	swait.ge @!p0 [sflag:s11], $0x80  }
0x4e: {  	[sflag:s11] =	ssyncset.done @!p0 $0x0  }
0x4f: {  	[sflag:s11] =	ssyncadd.s32 @!p0 $0xFFFFFF80  }
0x50: {  	_ =	swait.ge @!p0 [sflag:s11], $0x80  }
0x51: {  	[sflag:s11] =	ssyncset.done @!p0 $0x0  }
0x52: {  	s0 =	simm.s32 @!p0 $0x4400;
	s4 =	simm.s32 @!p0 $0x80;
	[sflag:s11] =	ssyncadd.s32 @!p0 $0xFFFFFF80  }
0x53: {  	[tilespmem:s0], [sflag:$0x6] =	stream.indirect.gather @!p0 [hbm4b:s5+s4], $0x80, s1, s4, $0xb8;
	[tilespmem:$0xC400] =	vst v63  }
0x54: {  	_ =	swait.ge [sflag:s25], $0x4000  }
0x55: {  	[sflag:s25] =	ssyncset.done $0x0  }
0x56: {  	p1 =	sle.u32 s8, $0x4;
	s13 =	rddreg [dreg:$0x5];
	[sflag:s25] =	ssyncadd.s32 $0xFFFFC000  }
0x57: {  	[spmem:s2] =	stream.indirect.scatter.add.f32 [tilespmem:s23], [sflag:$0x7], $0x80, s13, s22, $0xb8;
	[tilespmem:$0xC400] =	vst v63  }
0x58: {  	s0 =	sadd.s32 @!p1 $0x80, s17;
	_ =	swait.ge [sflag:s19], $0x4000  }
0x59: {  	s0 =	sshrl.u32 @!p1 s0, $0x3;
	[sflag:s19] =	ssyncset.done $0x0  }
0x5a: {  	s1 =	simm.s32 @!p1 $0x0;
	s4 =	sadd.s32 @!p1 s6, s0;
	[sflag:s19] =	ssyncadd.s32 $0xFFFFC000  }
0x5b: {  	[tilespmem:s1], [sflag:$0x1] =	stream.linear.gather @!p1 [hbm4b:s4+s1], $0x80, $0x38;
	[tilespmem:$0xC400] =	vst v63  }
0x5c: {  	s12 =	simm.s32 @!p1 $0x1;
	s0 =	sadd.s32 @!p1 s7, s0;
	s4 =	simm.s32 @!p1 $0x200  }
0x5d: {  	[tilespmem:s4], [sflag:$0x1] =	stream.linear.gather @!p1 [hbm4b:s0+s1], $0x80, $0x38;
	[tilespmem:$0xC400] =	vst v63  }
0x5e: {  	_ =	swait.ge @!p1 [sflag:s12], $0x80  }
0x5f: {  	s14 =	rddreg [dreg:$0xb]  }
0x60: {  	s30 =	sadd.s32 $0xFFFFFFFF, s14  }
0x61: {  	p0 =	sne.s32 s30, $0x0  }
.Ltmp0:
0x62: {  	_ = 	snop;
	(pc) =	sbr.rel @!p0 .LBB2_3-.Ltmp0, $4  }
0x63: {  	[sflag:s12] =	ssyncset.done @!p1 $0x0  }
0x64: {  	s31 =	smov.u32 s17;
	[sflag:s12] =	ssyncadd.s32 @!p1 $0xFFFFFF80  }
0x65: {  	s10 =	simm.s32 @!p1 $0x80;
	s11 =	simm.s32 @!p1 $0x400;
	_ =	swait.ge @!p1 [sflag:s12], $0x80  }
0x66: {  	s0 =	simm.s32 $0x4;
	s4 =	simm.s32 $0x0;
	[sflag:s12] =	ssyncset.done @!p1 $0x0  }
.LBB2_2:
0x67: {  	[sflag:s12] =	ssyncadd.s32 @!p1 $0xFFFFFF80  }
0x68: {  	[tilespmem:s11], [sflag:$0x5] =	stream.indirect.gather @!p1 [hbm4b:s5+s10], $0x80, s1, s10, $0xb8;
	[tilespmem:$0xC400] =	vst v63  }
0x69: {  	s4 =	sadd.s32 $0x5, s4;
	_ =	swait.ge [sflag:s26], $0x4000  }
0x6a: {  	p1 =	sge.u32 s4, s8;
	[sflag:s26] =	ssyncset.done $0x0  }
0x6b: {  	s4 =	sadd.s32 @!p1 $0x100, s31;
	s13 =	rddreg [dreg:$0x6];
	[sflag:s26] =	ssyncadd.s32 $0xFFFFC000  }
0x6c: {  	[spmem:s2] =	stream.indirect.scatter.add.f32 [tilespmem:s28], [sflag:$0x7], $0x80, s13, s22, $0xb8;
	[tilespmem:$0xC400] =	vst v63  }
0x6d: {  	s12 =	simm.s32 @!p1 $0x0;
	s10 =	sshrl.u32 @!p1 s4, $0x3;
	_ =	swait.ge [sflag:s19], $0x4000  }
0x6e: {  	s11 =	sadd.s32 @!p1 s6, s10;
	s14 =	rddreg [dreg:$0x4];
	[sflag:s19] =	ssyncset.done $0x0  }
0x6f: {  	s13 =	simm.s32 @!p1 $0x80;
	[sflag:s19] =	ssyncadd.s32 $0xFFFFC000;
	p2 =	sge.s32 s0, s14  }
0x70: {  	[tilespmem:s13], [sflag:$0x2] =	stream.linear.gather @!p1 [hbm4b:s11+s12], $0x80, $0x38;
	[tilespmem:$0xC400] =	vst v63  }
0x71: {  	s1 =	simm.s32 @!p1 $0x280;
	s10 =	sadd.s32 @!p1 s7, s10;
	s11 =	simm.s32 @!p2 $0x2  }
0x72: {  	[tilespmem:s1], [sflag:$0x2] =	stream.linear.gather @!p1 [hbm4b:s10+s12], $0x80, $0x38;
	[tilespmem:$0xC400] =	vst v63  }
0x73: {  	_ =	swait.ge @!p2 [sflag:s11], $0x80  }
0x74: {  	[sflag:s11] =	ssyncset.done @!p2 $0x0  }
0x75: {  	[sflag:s11] =	ssyncadd.s32 @!p2 $0xFFFFFF80  }
0x76: {  	_ =	swait.ge @!p2 [sflag:s11], $0x80  }
0x77: {  	[sflag:s11] =	ssyncset.done @!p2 $0x0  }
0x78: {  	s12 =	simm.s32 @!p2 $0x4400;
	[sflag:s11] =	ssyncadd.s32 @!p2 $0xFFFFFF80;
	s11 =	simm.s32 @!p2 $0x80  }
0x79: {  	[tilespmem:s12], [sflag:$0x6] =	stream.indirect.gather @!p2 [hbm4b:s5+s11], $0x80, s11, s11, $0xb8;
	[tilespmem:$0xC400] =	vst v63  }
0x7a: {  	s13 =	sadd.s32 $0x2, s0;
	_ =	swait.ge [sflag:s25], $0x4000  }
0x7b: {  	s31 =	sadd.s32 $0x200, s31;
	p1 =	sge.u32 s13, s8;
	[sflag:s25] =	ssyncset.done $0x0  }
0x7c: {  	s1 =	sadd.s32 @!p1 $0xFFFFFF80, s31;
	[sflag:s25] =	ssyncadd.s32 $0xFFFFC000  }
0x7d: {  	[spmem:s2] =	stream.indirect.scatter.add.f32 [tilespmem:s23], [sflag:$0x7], $0x80, s20, s22, $0xb8;
	[tilespmem:$0xC400] =	vst v63  }
0x7e: {  	s1 =	sshrl.u32 @!p1 s1, $0x3;
	_ =	swait.ge [sflag:s19], $0x4000  }
0x7f: {  	s10 =	sadd.s32 @!p1 s6, s1;
	[sflag:s19] =	ssyncset.done $0x0  }
0x80: {  	s11 =	simm.s32 @!p1 $0x0;
	s12 =	simm.s32 @!p1 $0x100;
	[sflag:s19] =	ssyncadd.s32 $0xFFFFC000  }
0x81: {  	[tilespmem:s12], [sflag:$0x3] =	stream.linear.gather @!p1 [hbm4b:s10+s11], $0x80, $0x38;
	[tilespmem:$0xC400] =	vst v63  }
0x82: {  	s13 =	simm.s32 @!p1 $0x3;
	s1 =	sadd.s32 @!p1 s7, s1;
	s10 =	simm.s32 @!p1 $0x300  }
0x83: {  	[tilespmem:s10], [sflag:$0x3] =	stream.linear.gather @!p1 [hbm4b:s1+s11], $0x80, $0x38;
	[tilespmem:$0xC400] =	vst v63  }
0x84: {  	_ =	swait.ge @!p1 [sflag:s13], $0x80  }
0x85: {  	[sflag:s13] =	ssyncset.done @!p1 $0x0  }
0x86: {  	[sflag:s13] =	ssyncadd.s32 @!p1 $0xFFFFFF80  }
0x87: {  	_ =	swait.ge @!p1 [sflag:s13], $0x80  }
0x88: {  	[sflag:s13] =	ssyncset.done @!p1 $0x0  }
0x89: {  	s1 =	simm.s32 @!p1 $0x80;
	s10 =	simm.s32 @!p1 $0x400;
	[sflag:s13] =	ssyncadd.s32 @!p1 $0xFFFFFF80  }
0x8a: {  	[tilespmem:s10], [sflag:$0x5] =	stream.indirect.gather @!p1 [hbm4b:s5+s1], $0x80, s12, s1, $0xb8;
	[tilespmem:$0xC400] =	vst v63  }
0x8b: {  	_ =	swait.ge [sflag:s26], $0x4000  }
0x8c: {  	[sflag:s26] =	ssyncset.done $0x0  }
0x8d: {  	s14 =	sadd.s32 $0x3, s0;
	[sflag:s26] =	ssyncadd.s32 $0xFFFFC000  }
0x8e: {  	[spmem:s2] =	stream.indirect.scatter.add.f32 [tilespmem:s28], [sflag:$0x7], $0x80, s24, s22, $0xb8;
	[tilespmem:$0xC400] =	vst v63  }
0x8f: {  	p2 =	sge.u32 s14, s8;
	_ =	swait.ge [sflag:s19], $0x4000  }
0x90: {  	s1 =	sshrl.u32 @!p2 s31, $0x3;
	s10 =	simm.s32 @!p2 $0x180;
	[sflag:s19] =	ssyncset.done $0x0  }
0x91: {  	s12 =	simm.s32 @!p2 $0x0;
	s11 =	sadd.s32 @!p2 s6, s1;
	[sflag:s19] =	ssyncadd.s32 $0xFFFFC000  }
0x92: {  	[tilespmem:s10], [sflag:$0x4] =	stream.linear.gather @!p2 [hbm4b:s11+s12], $0x80, $0x38;
	[tilespmem:$0xC400] =	vst v63  }
0x93: {  	s13 =	simm.s32 @!p2 $0x4;
	s1 =	sadd.s32 @!p2 s7, s1;
	s11 =	simm.s32 @!p2 $0x380  }
0x94: {  	[tilespmem:s11], [sflag:$0x4] =	stream.linear.gather @!p2 [hbm4b:s1+s12], $0x80, $0x38;
	[tilespmem:$0xC400] =	vst v63  }
0x95: {  	_ =	swait.ge @!p2 [sflag:s13], $0x80  }
0x96: {  	[sflag:s13] =	ssyncset.done @!p2 $0x0  }
0x97: {  	[sflag:s13] =	ssyncadd.s32 @!p2 $0xFFFFFF80  }
0x98: {  	_ =	swait.ge @!p2 [sflag:s13], $0x80  }
0x99: {  	[sflag:s13] =	ssyncset.done @!p2 $0x0  }
0x9a: {  	s1 =	simm.s32 @!p2 $0x4400;
	s11 =	simm.s32 @!p2 $0x80;
	[sflag:s13] =	ssyncadd.s32 @!p2 $0xFFFFFF80  }
0x9b: {  	[tilespmem:s1], [sflag:$0x6] =	stream.indirect.gather @!p2 [hbm4b:s5+s11], $0x80, s10, s11, $0xb8;
	[tilespmem:$0xC400] =	vst v63  }
0x9c: {  	_ =	swait.ge [sflag:s25], $0x4000  }
0x9d: {  	s4 =	smov.u32 s0;
	s0 =	sadd.s32 $0x4, s0;
	[sflag:s25] =	ssyncset.done $0x0  }
0x9e: {  	p1 =	sge.u32 s0, s8;
	s12 =	rddreg [dreg:$0x5];
	[sflag:s25] =	ssyncadd.s32 $0xFFFFC000  }
0x9f: {  	[spmem:s2] =	stream.indirect.scatter.add.f32 [tilespmem:s23], [sflag:$0x7], $0x80, s12, s22, $0xb8;
	[tilespmem:$0xC400] =	vst v63  }
0xa0: {  	s30 =	sadd.s32 $0xFFFFFFFF, s30;
	s1 =	sadd.s32 @!p1 $0x80, s31;
	_ =	swait.ge [sflag:s19], $0x4000  }
0xa1: {  	p0 =	sne.s32 s30, $0x0;
	s14 =	sshrl.u32 @!p1 s1, $0x3;
	[sflag:s19] =	ssyncset.done $0x0  }
0xa2: {  	s1 =	simm.s32 @!p1 $0x0;
	s12 =	sadd.s32 @!p1 s6, s14;
	[sflag:s19] =	ssyncadd.s32 $0xFFFFC000  }
0xa3: {  	[tilespmem:s1], [sflag:$0x1] =	stream.linear.gather @!p1 [hbm4b:s12+s1], $0x80, $0x38;
	[tilespmem:$0xC400] =	vst v63  }
0xa4: {  	s13 =	simm.s32 @!p1 $0x200;
	s14 =	sadd.s32 @!p1 s7, s14;
	s12 =	simm.s32 @!p1 $0x1  }
0xa5: {  	[tilespmem:s13], [sflag:$0x1] =	stream.linear.gather @!p1 [hbm4b:s14+s1], $0x80, $0x38;
	[tilespmem:$0xC400] =	vst v63  }
.Ltmp1:
0xa6: {  	_ =	swait.ge @!p1 [sflag:s12], $0x80;
	(pc) =	sbr.rel @p0 .LBB2_2-.Ltmp1, $4  }
0xa7: {  	[sflag:s12] =	ssyncset.done @!p1 $0x0  }
0xa8: {  	[sflag:s12] =	ssyncadd.s32 @!p1 $0xFFFFFF80  }
0xa9: {  	_ =	swait.ge @!p1 [sflag:s12], $0x80  }
0xaa: {  	s10 =	simm.s32 @!p1 $0x80;
	s11 =	simm.s32 @!p1 $0x400;
	[sflag:s12] =	ssyncset.done @!p1 $0x0  }
.LBB2_3:
0xab: {  	[sflag:s12] =	ssyncadd.s32 @!p1 $0xFFFFFF80  }
0xac: {  	[tilespmem:s11], [sflag:$0x5] =	stream.indirect.gather @!p1 [hbm4b:s5+s10], $0x80, s1, s10, $0xb8;
	[tilespmem:$0xC400] =	vst v63  }
0xad: {  	_ =	swait.ge [sflag:s26], $0x4000  }
0xae: {  	s0 =	sadd.s32 $0x5, s4;
	[sflag:s26] =	ssyncset.done $0x0  }
0xaf: {  	p0 =	sge.u32 s0, s8;
	s30 =	rddreg [dreg:$0x6];
	[sflag:s26] =	ssyncadd.s32 $0xFFFFC000  }
0xb0: {  	[spmem:s2] =	stream.indirect.scatter.add.f32 [tilespmem:s28], [sflag:$0x7], $0x80, s30, s22, $0xb8;
	[tilespmem:$0xC400] =	vst v63  }
0xb1: {  	s0 =	sadd.s32 @!p0 $0x100, s31;
	_ =	swait.ge [sflag:s19], $0x4000  }
0xb2: {  	s4 =	simm.s32 @!p0 $0x0;
	s0 =	sshrl.u32 @!p0 s0, $0x3;
	[sflag:s19] =	ssyncset.done $0x0  }
0xb3: {  	s10 =	simm.s32 @!p0 $0x80;
	s1 =	sadd.s32 @!p0 s6, s0;
	[sflag:s19] =	ssyncadd.s32 $0xFFFFC000  }
0xb4: {  	[tilespmem:s10], [sflag:$0x2] =	stream.linear.gather @!p0 [hbm4b:s1+s4], $0x80, $0x38;
	[tilespmem:$0xC400] =	vst v63  }
0xb5: {  	s29 =	sadd.s32 $0x1, s29;
	s0 =	sadd.s32 @!p0 s7, s0;
	s1 =	simm.s32 @!p0 $0x280  }
0xb6: {  	[tilespmem:s1], [sflag:$0x2] =	stream.linear.gather @!p0 [hbm4b:s0+s4], $0x80, $0x38;
	[tilespmem:$0xC400] =	vst v63  }
0xb7: {  	p0 =	sne.s32 s29, s16  }
.Ltmp2:
0xb8: {  	[bflag:$0x0] =	sbarrier.arrive $0xFFFF;
	(pc) =	sbr.rel @p0 .LBB2_1-.Ltmp2, $4  }
0xb9: {  	[hbm:s15], [sflag:s9] =	dma.local [spmem:s18], $0x800  }
0xba: {  	_ =	swait.ge [sflag:s19], $0x800  }
0xbb: {  	[sflag:s19] =	ssyncset.done $0x0  }
0xbc: {  	[sflag:s19] =	ssyncadd.s32 $0xFFFFF800  }
0xbd: {  	_ =	sfence.sel $0x180000  }
0xbe: {  	[bflag:$0x0] =	sbarrier.arrive $0xFFFF  }
0xbf: {  	_ =	strace $0x9000004A  }
0xc0: {  	s0 =	stileid.u32;
	[bflag:$0x2] =	sbarrier.arrive $0xFFFF  }
0xc1: {  	p0 =	sne.s32 s0, $0x0;
	s0 =	rddreg [dreg:$0x3]  }
0xc2: {  	s0 =	sadd.s32 @!p0 $0x100000, s0  }
0xc3: {  	[sflag:s0] =	ssyncadd.tile.s32 @!p0 $0x1;
	_ =	shalt  }
.Lfunc_end2:
_tile_overlayer_lowered:
.L_overlay_start_2:
0xc4: {  	(tag) =	ssettag $0x2  }
0xc5: {  	s0 =	rddreg [dreg:$0x0];
	s2 =	stileid.u32  }
0xc6: {  	s1 =	rddreg [dreg:$0x1];
	p0 =	sne.s32 s2, $0x0  }
0xc7: {  	s3 =	rddreg [dreg:$0x2];
	[bflag:$0x3] =	sbarrier.arrive $0xFFFF;
	s2 =	simm.s32 @!p0 $0x1C07  }
0xc8: {  	[timem:s3], [sflag:s2] =	dma.local @!p0 [hbm:s0], s1  }
0xc9: {  	s0 =	simm.s32 @!p0 $0x7  }
0xca: {  	_ =	swait.ge @!p0 [sflag:s0], s1  }
0xcb: {  	s1 =	ssub.s32 @!p0 $0x0, s1;
	[sflag:s0] =	ssyncset.done @!p0 $0x0  }
0xcc: {  	[sflag:s0] =	ssyncadd.s32 @!p0 s1  }
0xcd: {  	[bflag:$0x3] =	sbarrier.arrive $0xFFFF  }
0xce: {  	_ =	shalt  }

// kernel: kernel.7.cloned.1.call-start
scs
__scs_entry_jumppad:
0x0: {  	(pc) =	sbr.rel $0x88, $3  }
0x1: {  	(tag) =	ssettag $0x0;
	lr =	simm.s32 $0x1  }
0x2: {  	[smem:$0x3F98] =	sst lr;
	_ =	strace $0xD0000000  }
0x3: {  	_ = 	snop  }
0x4: {  	_ = 	snop  }
0x5: {  	_ = 	snop  }
0x6: {  	_ = 	snop  }
0x7: {  	_ = 	snop  }
__scs_overlays_trampoline_lowered:
0x8: {  	[smem:$0x3FA7] =	sst s0  }
0x9: {  	[smem:$0x3FA8] =	sst s1  }
0xa: {  	[smem:$0x3FA9] =	sst s2  }
0xb: {  	[smem:$0x3FAA] =	sst s3  }
0xc: {  	[smem:$0x3FAB] =	sst s4  }
0xd: {  	[smem:$0x3FAC] =	sst s5  }
0xe: {  	[smem:$0x3FAD] =	sst s6  }
0xf: {  	[smem:$0x3FAE] =	sst s7  }
0x10: {  	[smem:$0x3FAF] =	sst s8  }
0x11: {  	[smem:$0x3FB0] =	sst s9;
	s0 =	simm.s32 @!p0 $0x0  }
0x12: {  	s1 =	sld [smem:$0x3F96];
	s0 =	simm.s32 @p0 $0x1  }
0x13: {  	[smem:$0x3FB1] =	sst s0;
	s0 =	simm.s32 @!p1 $0x0  }
0x14: {  	s2 =	sld [smem:$0x3F95];
	s0 =	simm.s32 @p1 $0x1  }
0x15: {  	[smem:$0x3FB2] =	sst s0;
	s0 =	simm.s32 @!p2 $0x0  }
0x16: {  	s3 =	sld [smem:$0x3FDB];
	s0 =	simm.s32 @p2 $0x1  }
0x17: {  	s4 =	simm.s32 $0x1BF5;
	[smem:$0x3FB4] =	sst s0  }
0x18: {  	s0 =	sld [smem:$0x3F97];
	_ =	swait.ge [sflag:s4], $0x0  }
0x19: {  	s7 =	sld [smem:$0x3F98]  }
0x1a: {  	s8 =	sadd.s32 $0xFFFFE003, lr  }
0x1b: {  	s9 =	sadd.s32 $0xFFFFFEF7, lr;
	s5 =	simm.s32 $0xFFFFFFFF;
	p2 =	slt.u32 s8, $0xFFFFF086  }
0x1c: {  	p1 =	slt.u32 s9, $0xF7A;
	s5 =	simm.s32 @!p2 $0x0  }
0x1d: {  	s5 =	simm.s32 @p1 $0x1;
	p0 =	seq.s32 s7, s2  }
0x1e: {  	s7 =	smul.u32 @!p0 $0xF7A, s2;
	p2 =	seq.s32 @!p0 s5, $0x0  }
0x1f: {  	s9 =	smul.u32 $0xF7A, s1;
	s8 =	simm.s32 @!p0 $0x1BF5;
	p2 =	por !p2, p0  }
0x20: {  	[sflag:s8] =	ssyncset.s32 @!p0 $0xFFFFF086;
	s6 =	sadd.s32 @!p0 s3, s7;
	s7 =	simm.s32 @!p0 $0x108  }
0x21: {  	s3 =	sadd.s32 s3, s9;
	s6 =	sadd.s32 @!p0 $0x88, s6;
	s7 =	simm.s32 @p2 $0x1082  }
0x22: {  	[simem:s7], [sflag:s8] =	dma.local @!p0 [hbm:s6], $0xF7A  }
0x23: {  	s9 =	sor.u32 $0xD0000000, s2;
	s6 =	simm.s32 $0x108;
	_ =	swait.ge @!p0 [sflag:s8], $0x0  }
0x24: {  	s3 =	sadd.s32 $0x88, s3;
	s6 =	simm.s32 @!p1 $0x1082;
	[sflag:s4] =	ssyncset.s32 $0xFFFFF086  }
0x25: {  	[simem:s6], [sflag:s4] =	dma.local [hbm:s3], $0xF7A  }
0x26: {  	[smem:$0x3F98] =	sst s1;
	(tag) =	ssettag s2;
	_ =	strace s9  }
0x27: {  	s1 =	sld [smem:$0x3FA8]  }
0x28: {  	s2 =	sld [smem:$0x3FA9]  }
0x29: {  	s4 =	sld [smem:$0x3FAB]  }
0x2a: {  	p0 =	seq.s32 s5, $0x0;
	s5 =	sld [smem:$0x3FAC]  }
0x2b: {  	s6 =	sld [smem:$0x3FAD]  }
0x2c: {  	s7 =	sld [smem:$0x3FAE]  }
0x2d: {  	s3 =	simm.s32 $0x108;
	s8 =	sld [smem:$0x3FAF]  }
0x2e: {  	s3 =	simm.s32 @!p0 $0x1082;
	s9 =	sld [smem:$0x3FB0]  }
0x2f: {  	lr =	sadd.s32 s0, s3;
	s0 =	sld [smem:$0x3FA7]  }
0x30: {  	s3 =	sld [smem:$0x3FAA]  }
0x31: {  	[smem:$0x3FB3] =	sst s10  }
0x32: {  	s10 =	sld [smem:$0x3FB1];
	_ =	sdelay $0x3  }
0x33: {  	p0 =	seq.s32 s10, $0x1;
	s10 =	sld [smem:$0x3FB3];
	_ =	sdelay $0x3  }
0x34: {  	[smem:$0x3FB3] =	sst s10  }
0x35: {  	s10 =	sld [smem:$0x3FB2];
	_ =	sdelay $0x3  }
0x36: {  	p1 =	seq.s32 s10, $0x1;
	s10 =	sld [smem:$0x3FB3];
	_ =	sdelay $0x3  }
0x37: {  	[smem:$0x3FB3] =	sst s10  }
0x38: {  	s10 =	sld [smem:$0x3FB4]  }
0x39: {  	_ = 	snop;
	(pc) =	sbr.ind lr, $3  }
0x3a: {  	_ = 	snop  }
0x3b: {  	_ = 	snop  }
0x3c: {  	p2 =	seq.s32 s10, $0x1;
	s10 =	sld [smem:$0x3FB3]  }
0x3d: {  	_ =	shalt  }
0x3e: {  	_ =	shalt  }
0x3f: {  	_ =	shalt  }
0x40: {  	_ =	shalt  }
0x41: {  	_ =	shalt  }
0x42: {  	_ =	shalt  }
0x43: {  	_ =	shalt  }
0x44: {  	_ =	shalt  }
0x45: {  	_ =	shalt  }
0x46: {  	_ =	shalt  }
0x47: {  	_ =	shalt  }
0x48: {  	_ =	shalt  }
0x49: {  	_ =	shalt  }
0x4a: {  	_ =	shalt  }
0x4b: {  	_ =	shalt  }
0x4c: {  	_ =	shalt  }
0x4d: {  	_ =	shalt  }
0x4e: {  	_ =	shalt  }
0x4f: {  	_ =	shalt  }
0x50: {  	_ =	shalt  }
0x51: {  	_ =	shalt  }
0x52: {  	_ =	shalt  }
0x53: {  	_ =	shalt  }
0x54: {  	_ =	shalt  }
0x55: {  	_ =	shalt  }
0x56: {  	_ =	shalt  }
0x57: {  	_ =	shalt  }
0x58: {  	_ =	shalt  }
0x59: {  	_ =	shalt  }
0x5a: {  	_ =	shalt  }
0x5b: {  	_ =	shalt  }
0x5c: {  	_ =	shalt  }
0x5d: {  	_ =	shalt  }
0x5e: {  	_ =	shalt  }
0x5f: {  	_ =	shalt  }
0x60: {  	_ =	shalt  }
0x61: {  	_ =	shalt  }
0x62: {  	_ =	shalt  }
0x63: {  	_ =	shalt  }
0x64: {  	_ =	shalt  }
0x65: {  	_ =	shalt  }
0x66: {  	_ =	shalt  }
0x67: {  	_ =	shalt  }
0x68: {  	_ =	shalt  }
0x69: {  	_ =	shalt  }
0x6a: {  	_ =	shalt  }
0x6b: {  	_ =	shalt  }
0x6c: {  	_ =	shalt  }
0x6d: {  	_ =	shalt  }
0x6e: {  	_ =	shalt  }
0x6f: {  	_ =	shalt  }
0x70: {  	_ =	shalt  }
0x71: {  	_ =	shalt  }
0x72: {  	_ =	shalt  }
0x73: {  	_ =	shalt  }
0x74: {  	_ =	shalt  }
0x75: {  	_ =	shalt  }
0x76: {  	_ =	shalt  }
0x77: {  	_ =	shalt  }
0x78: {  	_ =	shalt  }
0x79: {  	_ =	shalt  }
0x7a: {  	_ =	shalt  }
0x7b: {  	_ =	shalt  }
0x7c: {  	_ =	shalt  }
0x7d: {  	_ =	shalt  }
0x7e: {  	_ =	shalt  }
0x7f: {  	_ =	shalt  }
0x80: {  	_ =	shalt  }
0x81: {  	_ =	shalt  }
0x82: {  	_ =	shalt  }
0x83: {  	_ =	shalt  }
0x84: {  	_ =	shalt  }
0x85: {  	_ =	shalt  }
0x86: {  	_ =	shalt  }
0x87: {  	_ =	shalt  }
.Lfunc_end0:
.L_simem_size_0:
called_computation_lowered:
.L_overlay_start_0:
0x88: {  	s2 =	sld [smem:$0x3FD9]  }
0x89: {  	s3 =	sld [smem:$0x3FFE];
	_ =	sdelay $0x1  }
0x8a: {  	s1 =	srdreg.scid  }
0x8b: {  	s0 =	sand.u32 $0x1, s1  }
0x8c: {  	s16 =	sshll.u32 s0, $0xA;
	s2 =	sadd.s32 s3, s2  }
0x8d: {  	s2 =	sadd.s32 s2, s16  }
0x8e: {  	[smem:$0x3FBF] =	sst s2  }
0x8f: {  	_ = 	snop  }
0x90: {  	(tm) =	ssettm $0x1  }
0x91: {  	s17 =	sld [smem:$0x3FFB];
	_ =	sdelay $0x3  }
0x92: {  	_ =	strace s17  }
0x93: {  	s2 =	sld [smem:$0x3FFC];
	_ =	sdelay $0x3  }
0x94: {  	_ =	strace s2  }
0x95: {  	s2 =	sld [smem:$0x3FFD];
	_ =	sdelay $0x3  }
0x96: {  	_ =	strace s2  }
0x97: {  	_ =	strace $0x8FFFFFFF  }
0x98: {  	s18 =	sld [smem:$0x3FDB];
	_ =	sdelay $0x1  }
0x99: {  	s19 =	simm.s32 $_scs_section_size  }
0x9a: {  	s4 =	simm.s32 $_size__tile_overlayer_lowered;
	s5 =	simm.s32 $_tile_overlayer_lowered  }
0x9b: {  	s22 =	simm.s32 $0x1BFF;
	s21 =	sshll.u32 s5, $0x1;
	s2 =	sadd.s32 s19, s18  }
0x9c: {  	s6 =	simm.s32 $0x0;
	s20 =	sshll.u32 s4, $0x1;
	s4 =	sadd.s32 s21, s2  }
0x9d: {  	[timem:s6], [sflag:s22] =	dma.local [hbm:s4], s20  }
0x9e: {  	_ =	swait.ge [sflag:s22], s20  }
0x9f: {  	s3 =	ssub.s32 $0x0, s20;
	[sflag:s22] =	ssyncset.done $0x0  }
0xa0: {  	[sflag:s22] =	ssyncadd.s32 s3;
	_ =	sdelay $0x1  }
0xa1: {  	s23 =	simm.s32 $0x1B8B  }
0xa2: {  	_ =	swait.ge [sflag:s23], $0x1  }
0xa3: {  	[sflag:s23] =	ssyncset.done $0x0  }
0xa4: {  	s25 =	simm.s32 $0x1B8E;
	s24 =	sld [smem:$0x3FFE];
	[sflag:s23] =	ssyncadd.s32 $0xFFFFFFFF  }
0xa5: {  	s26 =	simm.s32 $execute0_lowered;
	[smem:$0x3FD2] =	sst s25  }
0xa6: {  	s4 =	sshll.u32 s26, $0x1;
	_ =	strace $0x80000046;
	[dreg:$0x1] =	wrdreg $0xFFFFFFFF  }
0xa7: {  	s28 =	simm.s32 $_size_execute0_lowered;
	s2 =	sadd.s32 s2, s4;
	[dreg:$0x0] =	wrdreg $0x0  }
0xa8: {  	s4 =	sshll.u32 s28, $0x1;
	[dreg:$0x2] =	wrdreg s2  }
0xa9: {  	[dreg:$0x3] =	wrdreg s4  }
0xaa: {  	[dreg:$0x4] =	wrdreg $0xC0  }
0xab: {  	_ =	task [dreg:s6], $0x5FFFF  }
0xac: {  	[dreg:$0x1] =	wrdreg $0xFFFFFFFF  }
0xad: {  	[dreg:$0x0] =	wrdreg $0x60  }
0xae: {  	[dreg:$0x2] =	wrdreg s24  }
0xaf: {  	[dreg:$0x3] =	wrdreg $0x84000  }
0xb0: {  	[dreg:$0x4] =	wrdreg $0x9  }
0xb1: {  	_ =	task.clear_ibuf [dreg:s6], $0x5FFFF;
	_ =	strace $0x90000046  }
0xb2: {  	s29 =	simm.s32 $0x9;
	_ =	strace $0x80000048  }
0xb3: {  	_ =	swait.ge [sflag:s29], $0x1  }
0xb4: {  	[sflag:s29] =	ssyncadd.s32 $0xFFFFFFFF  }
0xb5: {  	_ =	strace $0x90000048  }
0xb6: {  	_ =	sfence  }
0xb7: {  	s30 =	sld [smem:$0x0];
	_ =	sdelay $0x2  }
0xb8: {  	s31 =	sshll.u32 s1, $0xD;
	s1 =	sshrl.u32 s1, $0x2  }
0xb9: {  	s3 =	sand.u32 $0x4000, s31;
	s1 =	sadd.s32 s1, s30  }
0xba: {  	s0 =	sor.u32 s3, s0;
	s1 =	sshll.u32 s1, $0x11  }
0xbb: {  	s0 =	sor.u32 s1, s0  }
0xbc: {  	s0 =	sadd.s32 $0x8F2B, s0  }
0xbd: {  	[sflag:s0] =	ssyncadd.remote.s32 $0x1  }
0xbe: {  	_ =	sfence.sel $0xFFFF  }
0xbf: {  	[dreg:$0x0] =	wrdreg $0xFFFFFFFF;
	(pc) =	sbr.abs _section_cstart, $3  }
0xc0: {  	[dreg:$0x1] =	wrdreg $0xFFFFFFFF  }
0xc1: {  	_ =	task.clear_ibuf [dreg:s6], $0x2FFFF;
	_ =	strace $0x9FFFFFFF  }
0xc2: {  	(tm) =	ssettm $0x7FFFFFFF  }
0xc3: {  	_ =	shalt  }
tec
execute0_lowered:
.L_overlay_start_1:
0x0: {  	(tag) =	ssettag $0x1  }
0x1: {  	s6 =	rddreg [dreg:$0x0]  }
0x2: {  	s1 =	rddreg [dreg:$0x1];
	s2 =	simm.s32 $0x0  }
0x3: {  	s3 =	srdreg.scid;
	s18 =	simm.s32 $0x80;
	s19 =	simm.s32 $0x400  }
0x4: {  	s20 =	simm.s32 $0x280;
	s21 =	simm.s32 $0x5;
	s7 =	sand.u32 $0x1, s3  }
0x5: {  	s22 =	simm.s32 $0x6;
	s3 =	stileid.u32;
	s8 =	smul.u32 $0x27100, s7  }
0x6: {  	s31 =	simm.s32 $0x380;
	[smem:$0x7FF] =	sst s2;
	s9 =	smul.u32 $0x3E80, s3  }
0x7: {  	s4 =	sadd.s32 $0xE00, s6;
	s10 =	sadd.s32 $0x32000, s6;
	s13 =	smul.u32 $0x4F000, s3  }
0x8: {  	s11 =	sadd.s32 $0x28000, s6;
	s5 =	sadd.s32 $0x3C000, s6;
	s24 =	smul.u32 $0x2C, s3  }
0x9: {  	s12 =	ssub.s32 $0x2, s7;
	p0 =	seq.s32 s7, $0x0;
	s7 =	smul.u32 $0x74, s3  }
0xa: {  	_ =	strace $0x80000047;
	s26 =	sshll.u32 s3, $0x6;
	s29 =	smul.u32 $0x7D000, s3  }
0xb: {  	[dreg:$0x6] =	wrdreg s31;
	s23 =	sshrl.u32 s12, $0x1;
	s8 =	sadd.s32 s9, s8  }
0xc: {  	s15 =	ssub.s32 s12, s23;
	s25 =	sshrl.u32 s13, $0x2;
	s13 =	sshrl.u32 s29, $0x2  }
0xd: {  	s23 =	simm.s32 $0x4400;
	s14 =	sadd.s32 s8, s6;
	s6 =	simm.s32 $0x74  }
0xe: {  	s8 =	sadd.s32 $0x740, s24;
	s16 =	sadd.s32 s25, s1;
	s24 =	sadd.s32 s13, s1  }
0xf: {  	s13 =	smax.u32 s15, $0x1;
	s15 =	simm.s32 $0x7;
	s25 =	simm.s32 $0x300  }
0x10: {  	s6 =	simm.s32 @!p0 $0x2C;
	s8 =	smov.u32 @p0 s7;
	s7 =	sor.u32 $0x1C07, s26  }
0x11: {  	[dreg:$0x5] =	wrdreg s25;
	p0 =	sgt.u32 s3, $0x9;
	s25 =	simm.s32 $0x0  }
0x12: {  	s28 =	sshll.u32 s8, $0x4;
	s17 =	sadd.s32 $0xFFFFFFFF, s6;
	s30 =	sshll.u32 s6, $0x4  }
0x13: {  	s24 =	sshrl.u32 @!p0 s24, $0x3;
	s8 =	sadd.s32 s10, s28;
	[dreg:$0x3] =	wrdreg s17  }
0x14: {  	s9 =	sadd.s32 s11, s28;
	s12 =	sor.u32 $0x10, s28;
	[dreg:$0x4] =	wrdreg s30  }
0x15: {  	s17 =	simm.s32 $0x1;
	s10 =	sadd.s32 s10, s12;
	s11 =	sadd.s32 s11, s12  }
0x16: {  	s12 =	sadd.s32 $0x3E800, s14;
	s14 =	sshrl.u32 s16, $0x3;
	s16 =	simm.s32 $0x200  }
.LBB2_1:
0x17: {  	[spmem:s14], [sflag:s7] =	dma.local [hbm:s5], $0x2780  }
0x18: {  	_ =	swait.ge [sflag:s15], $0x2780  }
0x19: {  	[sflag:s15] =	ssyncset.done $0x0  }
0x1a: {  	[sflag:s15] =	ssyncadd.s32 $0xFFFFD880  }
0x1b: {  	[bflag:$0x0] =	sbarrier.arrive $0xFFFF  }
0x1c: {  	[tilespmem:s2], [sflag:$0x1] =	stream.linear.gather [hbm4b:s8+s2], $0x80, $0x38;
	[tilespmem:$0x1C000] =	vst v63  }
0x1d: {  	_ = 	snop  }
0x1e: {  	[tilespmem:s16], [sflag:$0x1] =	stream.linear.gather [hbm4b:s9+s2], $0x80, $0x38;
	[tilespmem:$0x1C000] =	vst v63  }
0x1f: {  	_ =	swait.ge [sflag:s17], $0x80  }
0x20: {  	[sflag:s17] =	ssyncset.done $0x0  }
0x21: {  	[sflag:s17] =	ssyncadd.s32 $0xFFFFFF80  }
0x22: {  	_ =	swait.ge [sflag:s17], $0x80  }
0x23: {  	[sflag:s17] =	ssyncset.done $0x0  }
0x24: {  	[sflag:s17] =	ssyncadd.s32 $0xFFFFFF80  }
0x25: {  	[tilespmem:s19], [sflag:$0x5] =	stream.indirect.gather [hbm4b:s4+s18], $0x80, s2, s18, $0xb8;
	[tilespmem:$0x1C000] =	vst v63  }
0x26: {  	_ = 	snop  }
0x27: {  	[tilespmem:s18], [sflag:$0x2] =	stream.linear.gather [hbm4b:s10+s2], $0x80, $0x38;
	[tilespmem:$0x1C000] =	vst v63  }
0x28: {  	s28 =	simm.s32 $0x0;
	s26 =	simm.s32 $0x0  }
0x29: {  	[tilespmem:s20], [sflag:$0x2] =	stream.linear.gather [hbm4b:s11+s2], $0x80, $0x38;
	[tilespmem:$0x1C000] =	vst v63  }
.LBB2_2:
0x2a: {  	s29 =	rddreg [dreg:$0x3]  }
0x2b: {  	p1 =	sge.u32 s28, s29  }
0x2c: {  	s29 =	simm.s32 @!p1 $0x2  }
0x2d: {  	_ =	swait.ge @!p1 [sflag:s29], $0x80  }
0x2e: {  	[sflag:s29] =	ssyncset.done @!p1 $0x0  }
0x2f: {  	[sflag:s29] =	ssyncadd.s32 @!p1 $0xFFFFFF80  }
0x30: {  	_ =	swait.ge @!p1 [sflag:s29], $0x80  }
0x31: {  	[sflag:s29] =	ssyncset.done @!p1 $0x0  }
0x32: {  	s30 =	simm.s32 @!p1 $0x4400;
	[sflag:s29] =	ssyncadd.s32 @!p1 $0xFFFFFF80;
	s29 =	simm.s32 @!p1 $0x80  }
0x33: {  	[tilespmem:s30], [sflag:$0x6] =	stream.indirect.gather @!p1 [hbm4b:s4+s29], $0x80, s29, s29, $0xb8;
	[tilespmem:$0x1C000] =	vst v63  }
0x34: {  	_ =	swait.ge [sflag:s21], $0x4000  }
0x35: {  	[sflag:s21] =	ssyncset.done $0x0  }
0x36: {  	s0 =	sadd.s32 $0x2, s28;
	[sflag:s21] =	ssyncadd.s32 $0xFFFFC000  }
0x37: {  	[spmem:s1] =	stream.indirect.scatter.add.f32 [tilespmem:s19], [sflag:$0x7], $0x80, s16, s18, $0xb8;
	[tilespmem:$0x1C000] =	vst v63  }
0x38: {  	p1 =	sge.u32 s0, s6;
	_ =	swait.ge [sflag:s15], $0x4000  }
0x39: {  	s29 =	sadd.s32 @!p1 s26, s8;
	s30 =	simm.s32 @!p1 $0x0;
	[sflag:s15] =	ssyncset.done $0x0  }
0x3a: {  	s31 =	simm.s32 @!p1 $0x100;
	s29 =	sadd.s32 @!p1 $0x20, s29;
	[sflag:s15] =	ssyncadd.s32 $0xFFFFC000  }
0x3b: {  	[tilespmem:s31], [sflag:$0x3] =	stream.linear.gather @!p1 [hbm4b:s29+s30], $0x80, $0x38;
	[tilespmem:$0x1C000] =	vst v63  }
0x3c: {  	s29 =	sadd.s32 @!p1 s26, s9  }
0x3d: {  	s0 =	simm.s32 @!p1 $0x300;
	s29 =	sadd.s32 @!p1 $0x20, s29  }
0x3e: {  	[tilespmem:s0], [sflag:$0x3] =	stream.linear.gather @!p1 [hbm4b:s29+s30], $0x80, $0x38;
	[tilespmem:$0x1C000] =	vst v63  }
0x3f: {  	s0 =	simm.s32 @!p1 $0x3  }
0x40: {  	_ =	swait.ge @!p1 [sflag:s0], $0x80  }
0x41: {  	[sflag:s0] =	ssyncset.done @!p1 $0x0  }
0x42: {  	[sflag:s0] =	ssyncadd.s32 @!p1 $0xFFFFFF80  }
0x43: {  	_ =	swait.ge @!p1 [sflag:s0], $0x80  }
0x44: {  	[sflag:s0] =	ssyncset.done @!p1 $0x0  }
0x45: {  	s29 =	simm.s32 @!p1 $0x400;
	[sflag:s0] =	ssyncadd.s32 @!p1 $0xFFFFFF80;
	s0 =	simm.s32 @!p1 $0x80  }
0x46: {  	[tilespmem:s29], [sflag:$0x5] =	stream.indirect.gather @!p1 [hbm4b:s4+s0], $0x80, s31, s0, $0xb8;
	[tilespmem:$0x1C000] =	vst v63  }
0x47: {  	_ =	swait.ge [sflag:s22], $0x4000  }
0x48: {  	[sflag:s22] =	ssyncset.done $0x0  }
0x49: {  	s29 =	sadd.s32 $0x3, s28;
	[sflag:s22] =	ssyncadd.s32 $0xFFFFC000  }
0x4a: {  	[spmem:s1] =	stream.indirect.scatter.add.f32 [tilespmem:s23], [sflag:$0x7], $0x80, s20, s18, $0xb8;
	[tilespmem:$0x1C000] =	vst v63  }
0x4b: {  	p1 =	sge.u32 s29, s6;
	_ =	swait.ge [sflag:s15], $0x4000  }
0x4c: {  	s0 =	sadd.s32 @!p1 s26, s8;
	s29 =	simm.s32 @!p1 $0x0;
	[sflag:s15] =	ssyncset.done $0x0  }
0x4d: {  	s30 =	simm.s32 @!p1 $0x180;
	s0 =	sadd.s32 @!p1 $0x30, s0;
	[sflag:s15] =	ssyncadd.s32 $0xFFFFC000  }
0x4e: {  	[tilespmem:s30], [sflag:$0x4] =	stream.linear.gather @!p1 [hbm4b:s0+s29], $0x80, $0x38;
	[tilespmem:$0x1C000] =	vst v63  }
0x4f: {  	s0 =	sadd.s32 @!p1 s26, s9  }
0x50: {  	s31 =	simm.s32 @!p1 $0x380;
	s0 =	sadd.s32 @!p1 $0x30, s0  }
0x51: {  	[tilespmem:s31], [sflag:$0x4] =	stream.linear.gather @!p1 [hbm4b:s0+s29], $0x80, $0x38;
	[tilespmem:$0x1C000] =	vst v63  }
0x52: {  	s0 =	simm.s32 @!p1 $0x4  }
0x53: {  	_ =	swait.ge @!p1 [sflag:s0], $0x80  }
0x54: {  	[sflag:s0] =	ssyncset.done @!p1 $0x0  }
0x55: {  	[sflag:s0] =	ssyncadd.s32 @!p1 $0xFFFFFF80  }
0x56: {  	_ =	swait.ge @!p1 [sflag:s0], $0x80  }
0x57: {  	[sflag:s0] =	ssyncset.done @!p1 $0x0  }
0x58: {  	s29 =	simm.s32 @!p1 $0x4400;
	[sflag:s0] =	ssyncadd.s32 @!p1 $0xFFFFFF80;
	s0 =	simm.s32 @!p1 $0x80  }
0x59: {  	[tilespmem:s29], [sflag:$0x6] =	stream.indirect.gather @!p1 [hbm4b:s4+s0], $0x80, s30, s0, $0xb8;
	[tilespmem:$0x1C000] =	vst v63  }
0x5a: {  	_ =	swait.ge [sflag:s21], $0x4000  }
0x5b: {  	[sflag:s21] =	ssyncset.done $0x0  }
0x5c: {  	s0 =	sadd.s32 $0x4, s28;
	s30 =	rddreg [dreg:$0x5];
	[sflag:s21] =	ssyncadd.s32 $0xFFFFC000  }
0x5d: {  	[spmem:s1] =	stream.indirect.scatter.add.f32 [tilespmem:s19], [sflag:$0x7], $0x80, s30, s18, $0xb8;
	[tilespmem:$0x1C000] =	vst v63  }
0x5e: {  	p1 =	sge.u32 s0, s6;
	_ =	swait.ge [sflag:s15], $0x4000  }
0x5f: {  	s29 =	sadd.s32 @!p1 s26, s8;
	[sflag:s15] =	ssyncset.done $0x0  }
0x60: {  	s29 =	sadd.s32 @!p1 $0x40, s29;
	s30 =	simm.s32 @!p1 $0x0;
	[sflag:s15] =	ssyncadd.s32 $0xFFFFC000  }
0x61: {  	[tilespmem:s30], [sflag:$0x1] =	stream.linear.gather @!p1 [hbm4b:s29+s30], $0x80, $0x38;
	[tilespmem:$0x1C000] =	vst v63  }
0x62: {  	s29 =	sadd.s32 @!p1 s26, s9  }
0x63: {  	s31 =	simm.s32 @!p1 $0x200;
	s29 =	sadd.s32 @!p1 $0x40, s29  }
0x64: {  	[tilespmem:s31], [sflag:$0x1] =	stream.linear.gather @!p1 [hbm4b:s29+s30], $0x80, $0x38;
	[tilespmem:$0x1C000] =	vst v63  }
0x65: {  	s29 =	simm.s32 @!p1 $0x1  }
0x66: {  	_ =	swait.ge @!p1 [sflag:s29], $0x80  }
0x67: {  	[sflag:s29] =	ssyncset.done @!p1 $0x0  }
0x68: {  	[sflag:s29] =	ssyncadd.s32 @!p1 $0xFFFFFF80  }
0x69: {  	_ =	swait.ge @!p1 [sflag:s29], $0x80  }
0x6a: {  	[sflag:s29] =	ssyncset.done @!p1 $0x0  }
0x6b: {  	s31 =	simm.s32 @!p1 $0x400;
	[sflag:s29] =	ssyncadd.s32 @!p1 $0xFFFFFF80;
	s29 =	simm.s32 @!p1 $0x80  }
0x6c: {  	[tilespmem:s31], [sflag:$0x5] =	stream.indirect.gather @!p1 [hbm4b:s4+s29], $0x80, s30, s29, $0xb8;
	[tilespmem:$0x1C000] =	vst v63  }
0x6d: {  	_ =	swait.ge [sflag:s22], $0x4000  }
0x6e: {  	[sflag:s22] =	ssyncset.done $0x0  }
0x6f: {  	s28 =	sadd.s32 $0x5, s28;
	s31 =	rddreg [dreg:$0x6];
	[sflag:s22] =	ssyncadd.s32 $0xFFFFC000  }
0x70: {  	[spmem:s1] =	stream.indirect.scatter.add.f32 [tilespmem:s23], [sflag:$0x7], $0x80, s31, s18, $0xb8;
	[tilespmem:$0x1C000] =	vst v63  }
0x71: {  	p1 =	sge.u32 s28, s6;
	_ =	swait.ge [sflag:s15], $0x4000  }
0x72: {  	s28 =	sadd.s32 @!p1 s26, s8;
	s29 =	simm.s32 @!p1 $0x0;
	[sflag:s15] =	ssyncset.done $0x0  }
0x73: {  	s30 =	simm.s32 @!p1 $0x80;
	s28 =	sadd.s32 @!p1 $0x50, s28;
	[sflag:s15] =	ssyncadd.s32 $0xFFFFC000  }
0x74: {  	[tilespmem:s30], [sflag:$0x2] =	stream.linear.gather @!p1 [hbm4b:s28+s29], $0x80, $0x38;
	[tilespmem:$0x1C000] =	vst v63  }
0x75: {  	s31 =	rddreg [dreg:$0x4];
	s28 =	sadd.s32 @!p1 s26, s9  }
0x76: {  	s30 =	simm.s32 @!p1 $0x280;
	s26 =	sadd.s32 $0x40, s26;
	s28 =	sadd.s32 @!p1 $0x50, s28  }
0x77: {  	[tilespmem:s30], [sflag:$0x2] =	stream.linear.gather @!p1 [hbm4b:s28+s29], $0x80, $0x38;
	[tilespmem:$0x1C000] =	vst v63  }
0x78: {  	p1 =	sne.s32 s31, s26  }
.Ltmp0:
0x79: {  	_ = 	snop;
	(pc) =	sbr.rel @p1 .LBB2_2-.Ltmp0, $2  }
0x7a: {  	_ =	sdelay $0x2  }
0x7b: {  	s28 =	smov.u32 s0  }
0x7c: {  	s25 =	sadd.s32 $0x1, s25  }
0x7d: {  	p1 =	sne.s32 s25, s13  }
.Ltmp1:
0x7e: {  	[bflag:$0x0] =	sbarrier.arrive $0xFFFF;
	s0 =	simm.s32 @!p0 $0x7;
	(pc) =	sbr.rel @p1 .LBB2_1-.Ltmp1, $4  }
0x7f: {  	[hbm:s12], [sflag:s7] =	dma.local @!p0 [spmem:s24], $0x3E80  }
0x80: {  	_ =	swait.ge @!p0 [sflag:s0], $0x3E80  }
0x81: {  	[sflag:s0] =	ssyncset.done @!p0 $0x0  }
0x82: {  	[sflag:s0] =	ssyncadd.s32 @!p0 $0xFFFFC180  }
0x83: {  	_ =	sfence.sel $0x180000  }
0x84: {  	[bflag:$0x0] =	sbarrier.arrive $0xFFFF  }
0x85: {  	_ =	strace $0x90000047  }
0x86: {  	[bflag:$0x2] =	sbarrier.arrive $0xFFFF  }
0x87: {  	p0 =	sne.s32 s3, $0x0;
	s0 =	rddreg [dreg:$0x2]  }
0x88: {  	s0 =	sadd.s32 @!p0 $0x100000, s0  }
0x89: {  	[sflag:s0] =	ssyncadd.tile.s32 @!p0 $0x1;
	_ =	shalt  }
.Lfunc_end2:
_tile_overlayer_lowered:
.L_overlay_start_2:
0x8a: {  	(tag) =	ssettag $0x2  }
0x8b: {  	s0 =	rddreg [dreg:$0x0];
	s2 =	stileid.u32  }
0x8c: {  	s1 =	rddreg [dreg:$0x1];
	p0 =	sne.s32 s2, $0x0  }
0x8d: {  	s3 =	rddreg [dreg:$0x2];
	[bflag:$0x3] =	sbarrier.arrive $0xFFFF;
	s2 =	simm.s32 @!p0 $0x1C07  }
0x8e: {  	[timem:s3], [sflag:s2] =	dma.local @!p0 [hbm:s0], s1  }
0x8f: {  	s0 =	simm.s32 @!p0 $0x7  }
0x90: {  	_ =	swait.ge @!p0 [sflag:s0], s1  }
0x91: {  	s1 =	ssub.s32 @!p0 $0x0, s1;
	[sflag:s0] =	ssyncset.done @!p0 $0x0  }
0x92: {  	[sflag:s0] =	ssyncadd.s32 @!p0 s1  }
0x93: {  	[bflag:$0x3] =	sbarrier.arrive $0xFFFF  }
0x94: {  	_ =	shalt  }

</sc_bundles>
